<compile_context>
chip_gen: v7x
topology: tpu7x:2x2x1
jax: 0.10.2.dev20260603
libtpu: 0.0.44.dev20260713+nightly
codegen_flags: <defaults>
</compile_context>

<pallas_src>
import jax
import jax.numpy as jnp
from jax import lax
from jax.experimental import pallas as pl
from jax.experimental.pallas import tpu as pltpu
from jax.experimental.pallas import tpu_sc as plsc

N_CORES = 2
N_SUBCORES = 16
N_WORKERS = N_CORES * N_SUBCORES
LANES = 16

M_TOTAL = 200000
K_IDX = 3
D_FEAT = 128
W = 64
SLAB = 6272
TAIL = M_TOTAL - (N_WORKERS - 1) * SLAB
NWIN_FULL = SLAB // W
NWIN_TAIL = TAIL // W


def _sum_body(x_hbm, i0_hbm, i1_hbm, i2_hbm, out_hbm,
              idx0_v, idx1_v, idx2_v,
              a0, b0, c0, a1, b1, c1,
              sem_g0, sem_g1, sem_o0, sem_o1):
    cid = lax.axis_index("c")
    sid = lax.axis_index("s")
    wid = sid * N_CORES + cid
    base = wid * SLAB
    nwin = jnp.where(wid == N_WORKERS - 1, NWIN_TAIL, NWIN_FULL)

    idx_bufs = (idx0_v, idx1_v, idx2_v)
    for k, src_hbm in enumerate((i0_hbm, i1_hbm, i2_hbm)):
        pltpu.sync_copy(src_hbm.at[pl.ds(base, SLAB)], idx_bufs[k])

    sets = ((a0, b0, c0, sem_g0, sem_o0), (a1, b1, c1, sem_g1, sem_o1))

    def g_copies(j, s):
        off = j * W
        return [
            pltpu.make_async_copy(
                x_hbm.at[idx_bufs[k].at[pl.ds(off, W)]], sets[s][k], sets[s][3]
            )
            for k in range(K_IDX)
        ]

    def o_copy(j, s):
        return pltpu.make_async_copy(
            sets[s][0], out_hbm.at[pl.ds(base + j * W, W)], sets[s][4]
        )

    for cp in g_copies(0, 0):
        cp.start()

    def half(i, cur, nxt):
        j = i + 1

        @pl.when(jnp.logical_and(j >= 2, j < nwin))
        def _():
            o_copy(j - 2, nxt).wait()

        @pl.when(j < nwin)
        def _():
            for cp in g_copies(j, nxt):
                cp.start()

        @pl.when(i < nwin)
        def _():
            for cp in g_copies(i, cur):
                cp.wait()
            r0, r1, r2 = sets[cur][:3]

            @pl.loop(0, W, unroll=2)
            def _(jr):
                @pl.loop(0, D_FEAT, step=LANES, unroll=True)
                def _(c):
                    s = (jr, pl.ds(c, LANES))
                    plsc.addupdate(r0.at[s], r1[s] + r2[s])

            o_copy(i, cur).start()

    @pl.loop(0, NWIN_FULL, step=2)
    def _(i):
        half(i, 0, 1)
        half(i + 1, 1, 0)

    j0 = nwin - 2 + (nwin % 2)
    j1 = nwin - 1 - (nwin % 2)
    o_copy(j0, 0).wait()
    o_copy(j1, 1).wait()


def _build_kernel():
    mesh = plsc.VectorSubcoreMesh(core_axis_name="c", subcore_axis_name="s")
    return pl.kernel(
        _sum_body,
        out_type=jax.ShapeDtypeStruct((M_TOTAL, D_FEAT), jnp.float32),
        mesh=mesh,
        scratch_types=[
            pltpu.VMEM((SLAB,), jnp.int32),
            pltpu.VMEM((SLAB,), jnp.int32),
            pltpu.VMEM((SLAB,), jnp.int32),
            pltpu.VMEM((W, D_FEAT), jnp.float32),
            pltpu.VMEM((W, D_FEAT), jnp.float32),
            pltpu.VMEM((W, D_FEAT), jnp.float32),
            pltpu.VMEM((W, D_FEAT), jnp.float32),
            pltpu.VMEM((W, D_FEAT), jnp.float32),
            pltpu.VMEM((W, D_FEAT), jnp.float32),
            pltpu.SemaphoreType.DMA,
            pltpu.SemaphoreType.DMA,
            pltpu.SemaphoreType.DMA,
            pltpu.SemaphoreType.DMA,
        ],
    )


@jax.jit
def kernel(x, indices):
    idx = indices.astype(jnp.int32)
    pad = N_WORKERS * SLAB - M_TOTAL
    idx = jnp.pad(idx, ((0, pad), (0, 0)))
    return _build_kernel()(x, idx[:, 0], idx[:, 1], idx[:, 2])

# --- scband reference (transcript-rebuilt; emitter-appended) ---
"""Pipeline reference for scband-sum-layer-29686813950482 (READ-ONLY COPY).

The authoritative reference and input builder live on the scoring server;
editing this copy changes nothing except your own understanding.
"""

import jax, jax.numpy as jnp
import numpy as np

N_NODES = 100000
D_FEAT = 128
M = 200000
K = 3

def setup_inputs(seed: int = 0) -> dict:
    key = jax.random.key(seed)
    k1, k2 = jax.random.split(key)
    x = jax.random.normal(k1, (N_NODES, D_FEAT), dtype=jnp.float32)
    indices = jax.random.randint(k2, (M, K), 0, N_NODES, dtype=jnp.int64)
    return {"x": x, "indices": indices}

def reference(x, indices):
    # Faithful translation of SumLayer.forward: x[self.indices].sum(axis=1)
    # gather rows of x per index group [M, K] -> [M, K, D], reduce over K -> [M, D]
    gathered = jnp.take(x, indices, axis=0)
    result = gathered.sum(axis=1)
    return result

if __name__ == "__main__":
    import jax
    _d = setup_inputs()
    print(jax.jit(kernel)(*tuple(_d.values())))

</pallas_src>

<mosaic_0001>
#map = affine_map<(d0, d1) -> (0, 0)>
#map1 = affine_map<(d0, d1) -> (0)>
module attributes {stable_mosaic.version = 14 : i64} {
  func.func @_sum_body(%arg0: i32, %arg1: i32, %arg2: memref<100000x128xf32, #tpu.memory_space<hbm>>, %arg3: memref<200704xi32, #tpu.memory_space<hbm>>, %arg4: memref<200704xi32, #tpu.memory_space<hbm>>, %arg5: memref<200704xi32, #tpu.memory_space<hbm>>, %arg6: memref<200000x128xf32, #tpu.memory_space<hbm>>, %arg7: memref<6272xi32, #tpu.memory_space<vmem>>, %arg8: memref<6272xi32, #tpu.memory_space<vmem>>, %arg9: memref<6272xi32, #tpu.memory_space<vmem>>, %arg10: memref<64x128xf32, #tpu.memory_space<vmem>>, %arg11: memref<64x128xf32, #tpu.memory_space<vmem>>, %arg12: memref<64x128xf32, #tpu.memory_space<vmem>>, %arg13: memref<64x128xf32, #tpu.memory_space<vmem>>, %arg14: memref<64x128xf32, #tpu.memory_space<vmem>>, %arg15: memref<64x128xf32, #tpu.memory_space<vmem>>, %arg16: memref<!tpu.dma_semaphore, #tpu.memory_space<semaphore_mem>>, %arg17: memref<!tpu.dma_semaphore, #tpu.memory_space<semaphore_mem>>, %arg18: memref<!tpu.dma_semaphore, #tpu.memory_space<semaphore_mem>>, %arg19: memref<!tpu.dma_semaphore, #tpu.memory_space<semaphore_mem>>) attributes {dimension_semantics = [#tpu.dimension_semantics<core_parallel>, #tpu.dimension_semantics<subcore_parallel>], iteration_bounds = array<i64: 2, 16>, scalar_prefetch = 0 : i64, scratch_operands = 13 : i64, tpu.core_type = #tpu.core_type<sc_vector_subcore>, window_params = [{transform_indices = #map}, {transform_indices = #map1}, {transform_indices = #map1}, {transform_indices = #map1}, {transform_indices = #map}]} {
    %mul3A = arith.constant 2 : i32
    %mul3A_0 = arith.muli %arg1, %mul3A : i32
    %add3A = arith.addi %mul3A_0, %arg0 : i32
    %mul3A_1 = arith.constant 6272 : i32
    %mul3A_2 = arith.muli %add3A, %mul3A_1 : i32
    %eq3A = arith.constant 31 : i32
    %eq3A_3 = arith.cmpi eq, %add3A, %eq3A : i32
    %jit3A = arith.constant 87 : i32
    %jit3A_4 = arith.constant 98 : i32
    %select_n3A = arith.select %eq3A_3, %jit3A, %jit3A_4 : i32
    "tpu.region"() ({
      %run_scoped3A = tpu.sem_alloc : memref<!tpu.dma_semaphore, #tpu.memory_space<semaphore_mem>>
      %dma_start3A_69 = tpu.memref_slice %arg3[%mul3A_2] : memref<200704xi32, #tpu.memory_space<hbm>> -> memref<6272xi32, #tpu.memory_space<hbm>>
      %dma_start3A_70 = tpu.memref_slice %arg3[%mul3A_2] : memref<200704xi32, #tpu.memory_space<hbm>> -> memref<6272xi32, #tpu.memory_space<hbm>>
      tpu.enqueue_dma source(%dma_start3A_70 : memref<6272xi32, #tpu.memory_space<hbm>>) target(%arg7 : memref<6272xi32, #tpu.memory_space<vmem>>) target_semaphore(%run_scoped3A : memref<!tpu.dma_semaphore, #tpu.memory_space<semaphore_mem>>)
      %dma_wait3A_71 = tpu.memref_slice %arg3[%mul3A_2] : memref<200704xi32, #tpu.memory_space<hbm>> -> memref<6272xi32, #tpu.memory_space<hbm>>
      %dma_wait3A_72 = tpu.memref_slice %arg3[%mul3A_2] : memref<200704xi32, #tpu.memory_space<hbm>> -> memref<6272xi32, #tpu.memory_space<hbm>>
      tpu.wait_dma2 semaphore(%run_scoped3A : memref<!tpu.dma_semaphore, #tpu.memory_space<semaphore_mem>>) src(%dma_wait3A_72 : memref<6272xi32, #tpu.memory_space<hbm>>) dst(%arg7 : memref<6272xi32, #tpu.memory_space<vmem>>)
      tpu.yield
    }) : () -> ()
    "tpu.region"() ({
      %run_scoped3A = tpu.sem_alloc : memref<!tpu.dma_semaphore, #tpu.memory_space<semaphore_mem>>
      %dma_start3A_69 = tpu.memref_slice %arg4[%mul3A_2] : memref<200704xi32, #tpu.memory_space<hbm>> -> memref<6272xi32, #tpu.memory_space<hbm>>
      %dma_start3A_70 = tpu.memref_slice %arg4[%mul3A_2] : memref<200704xi32, #tpu.memory_space<hbm>> -> memref<6272xi32, #tpu.memory_space<hbm>>
      tpu.enqueue_dma source(%dma_start3A_70 : memref<6272xi32, #tpu.memory_space<hbm>>) target(%arg8 : memref<6272xi32, #tpu.memory_space<vmem>>) target_semaphore(%run_scoped3A : memref<!tpu.dma_semaphore, #tpu.memory_space<semaphore_mem>>)
      %dma_wait3A_71 = tpu.memref_slice %arg4[%mul3A_2] : memref<200704xi32, #tpu.memory_space<hbm>> -> memref<6272xi32, #tpu.memory_space<hbm>>
      %dma_wait3A_72 = tpu.memref_slice %arg4[%mul3A_2] : memref<200704xi32, #tpu.memory_space<hbm>> -> memref<6272xi32, #tpu.memory_space<hbm>>
      tpu.wait_dma2 semaphore(%run_scoped3A : memref<!tpu.dma_semaphore, #tpu.memory_space<semaphore_mem>>) src(%dma_wait3A_72 : memref<6272xi32, #tpu.memory_space<hbm>>) dst(%arg8 : memref<6272xi32, #tpu.memory_space<vmem>>)
      tpu.yield
    }) : () -> ()
    "tpu.region"() ({
      %run_scoped3A = tpu.sem_alloc : memref<!tpu.dma_semaphore, #tpu.memory_space<semaphore_mem>>
      %dma_start3A_69 = tpu.memref_slice %arg5[%mul3A_2] : memref<200704xi32, #tpu.memory_space<hbm>> -> memref<6272xi32, #tpu.memory_space<hbm>>
      %dma_start3A_70 = tpu.memref_slice %arg5[%mul3A_2] : memref<200704xi32, #tpu.memory_space<hbm>> -> memref<6272xi32, #tpu.memory_space<hbm>>
      tpu.enqueue_dma source(%dma_start3A_70 : memref<6272xi32, #tpu.memory_space<hbm>>) target(%arg9 : memref<6272xi32, #tpu.memory_space<vmem>>) target_semaphore(%run_scoped3A : memref<!tpu.dma_semaphore, #tpu.memory_space<semaphore_mem>>)
      %dma_wait3A_71 = tpu.memref_slice %arg5[%mul3A_2] : memref<200704xi32, #tpu.memory_space<hbm>> -> memref<6272xi32, #tpu.memory_space<hbm>>
      %dma_wait3A_72 = tpu.memref_slice %arg5[%mul3A_2] : memref<200704xi32, #tpu.memory_space<hbm>> -> memref<6272xi32, #tpu.memory_space<hbm>>
      tpu.wait_dma2 semaphore(%run_scoped3A : memref<!tpu.dma_semaphore, #tpu.memory_space<semaphore_mem>>) src(%dma_wait3A_72 : memref<6272xi32, #tpu.memory_space<hbm>>) dst(%arg9 : memref<6272xi32, #tpu.memory_space<vmem>>)
      tpu.yield
    }) : () -> ()
    %dma_start3A = arith.constant 0 : i32
    %dma_start3A_5 = tpu.memref_slice %arg7[%dma_start3A] : memref<6272xi32, #tpu.memory_space<vmem>> -> memref<64xi32, #tpu.memory_space<vmem>>
    %dma_start3A_6 = arith.constant 0 : i32
    %dma_start3A_7 = arith.constant 0 : i32
    %dma_start3A_8 = tpu.memref_slice %arg2[%dma_start3A_6, %dma_start3A_7] : memref<100000x128xf32, #tpu.memory_space<hbm>> -> memref<100000x128xf32, #tpu.memory_space<hbm>>
    tpu.enqueue_indirect_dma source(%dma_start3A_8 : memref<100000x128xf32, #tpu.memory_space<hbm>>) target(%arg10 : memref<64x128xf32, #tpu.memory_space<vmem>>) offsets(%dma_start3A_5 : memref<64xi32, #tpu.memory_space<vmem>>) semaphore(%arg16 : memref<!tpu.dma_semaphore, #tpu.memory_space<semaphore_mem>>)
    %dma_start3A_9 = arith.constant 0 : i32
    %dma_start3A_10 = tpu.memref_slice %arg8[%dma_start3A_9] : memref<6272xi32, #tpu.memory_space<vmem>> -> memref<64xi32, #tpu.memory_space<vmem>>
    %dma_start3A_11 = arith.constant 0 : i32
    %dma_start3A_12 = arith.constant 0 : i32
    %dma_start3A_13 = tpu.memref_slice %arg2[%dma_start3A_11, %dma_start3A_12] : memref<100000x128xf32, #tpu.memory_space<hbm>> -> memref<100000x128xf32, #tpu.memory_space<hbm>>
    tpu.enqueue_indirect_dma source(%dma_start3A_13 : memref<100000x128xf32, #tpu.memory_space<hbm>>) target(%arg11 : memref<64x128xf32, #tpu.memory_space<vmem>>) offsets(%dma_start3A_10 : memref<64xi32, #tpu.memory_space<vmem>>) semaphore(%arg16 : memref<!tpu.dma_semaphore, #tpu.memory_space<semaphore_mem>>)
    %dma_start3A_14 = arith.constant 0 : i32
    %dma_start3A_15 = tpu.memref_slice %arg9[%dma_start3A_14] : memref<6272xi32, #tpu.memory_space<vmem>> -> memref<64xi32, #tpu.memory_space<vmem>>
    %dma_start3A_16 = arith.constant 0 : i32
    %dma_start3A_17 = arith.constant 0 : i32
    %dma_start3A_18 = tpu.memref_slice %arg2[%dma_start3A_16, %dma_start3A_17] : memref<100000x128xf32, #tpu.memory_space<hbm>> -> memref<100000x128xf32, #tpu.memory_space<hbm>>
    tpu.enqueue_indirect_dma source(%dma_start3A_18 : memref<100000x128xf32, #tpu.memory_space<hbm>>) target(%arg12 : memref<64x128xf32, #tpu.memory_space<vmem>>) offsets(%dma_start3A_15 : memref<64xi32, #tpu.memory_space<vmem>>) semaphore(%arg16 : memref<!tpu.dma_semaphore, #tpu.memory_space<semaphore_mem>>)
    %scan3A = arith.constant 0 : i32
    %scan3A_19 = arith.constant 49 : i32
    %scan3A_20 = arith.addi %scan3A, %scan3A_19 : i32
    %scan3A_21 = arith.constant 1 : i32
    scf.for %scan3A_69 = %scan3A to %scan3A_20 step %scan3A_21  : i32 {
      %mul3A_70 = arith.constant 2 : i32
      %mul3A_71 = arith.muli %scan3A_69, %mul3A_70 : i32
      %add3A_72 = arith.constant 0 : i32
      %add3A_73 = arith.addi %add3A_72, %mul3A_71 : i32
      %add3A_74 = arith.constant 1 : i32
      %add3A_75 = arith.addi %add3A_73, %add3A_74 : i32
      %ge3A = arith.constant 2 : i32
      %ge3A_76 = arith.cmpi sge, %add3A_75, %ge3A : i32
      %lt3A_77 = arith.cmpi slt, %add3A_75, %select_n3A : i32
      %and3A_78 = arith.andi %ge3A_76, %lt3A_77 : i1
      %convert_element_type3A = arith.extui %and3A_78 : i1 to i32
      %cond3A = arith.constant 0 : i32
      %cond3A_79 = arith.cmpi ne, %convert_element_type3A, %cond3A : i32
      scf.if %cond3A_79 {
        %sub3A_107 = arith.constant 2 : i32
        %sub3A_108 = arith.subi %add3A_75, %sub3A_107 : i32
        %mul3A_109 = arith.constant 64 : i32
        %mul3A_110 = arith.muli %sub3A_108, %mul3A_109 : i32
        %add3A_111 = arith.addi %mul3A_2, %mul3A_110 : i32
        %dma_wait3A_112 = arith.constant 0 : i32
        %dma_wait3A_113 = tpu.memref_slice %arg6[%add3A_111, %dma_wait3A_112] : memref<200000x128xf32, #tpu.memory_space<hbm>> -> memref<64x128xf32, #tpu.memory_space<hbm>>
        %dma_wait3A_114 = arith.constant 0 : i32
        %dma_wait3A_115 = tpu.memref_slice %arg6[%add3A_111, %dma_wait3A_114] : memref<200000x128xf32, #tpu.memory_space<hbm>> -> memref<64x128xf32, #tpu.memory_space<hbm>>
        tpu.wait_dma2 semaphore(%arg19 : memref<!tpu.dma_semaphore, #tpu.memory_space<semaphore_mem>>) src(%arg13 : memref<64x128xf32, #tpu.memory_space<vmem>>) dst(%dma_wait3A_115 : memref<64x128xf32, #tpu.memory_space<hbm>>)
      } else {
      }
      %lt3A_80 = arith.cmpi slt, %add3A_75, %select_n3A : i32
      %convert_element_type3A_81 = arith.extui %lt3A_80 : i1 to i32
      %cond3A_82 = arith.constant 0 : i32
      %cond3A_83 = arith.cmpi ne, %convert_element_type3A_81, %cond3A_82 : i32
      scf.if %cond3A_83 {
        %mul3A_107 = arith.constant 64 : i32
        %mul3A_108 = arith.muli %add3A_75, %mul3A_107 : i32
        %dma_start3A_109 = tpu.memref_slice %arg7[%mul3A_108] : memref<6272xi32, #tpu.memory_space<vmem>> -> memref<64xi32, #tpu.memory_space<vmem>>
        %dma_start3A_110 = arith.constant 0 : i32
        %dma_start3A_111 = arith.constant 0 : i32
        %dma_start3A_112 = tpu.memref_slice %arg2[%dma_start3A_110, %dma_start3A_111] : memref<100000x128xf32, #tpu.memory_space<hbm>> -> memref<100000x128xf32, #tpu.memory_space<hbm>>
        tpu.enqueue_indirect_dma source(%dma_start3A_112 : memref<100000x128xf32, #tpu.memory_space<hbm>>) target(%arg13 : memref<64x128xf32, #tpu.memory_space<vmem>>) offsets(%dma_start3A_109 : memref<64xi32, #tpu.memory_space<vmem>>) semaphore(%arg17 : memref<!tpu.dma_semaphore, #tpu.memory_space<semaphore_mem>>)
        %dma_start3A_113 = tpu.memref_slice %arg8[%mul3A_108] : memref<6272xi32, #tpu.memory_space<vmem>> -> memref<64xi32, #tpu.memory_space<vmem>>
        %dma_start3A_114 = arith.constant 0 : i32
        %dma_start3A_115 = arith.constant 0 : i32
        %dma_start3A_116 = tpu.memref_slice %arg2[%dma_start3A_114, %dma_start3A_115] : memref<100000x128xf32, #tpu.memory_space<hbm>> -> memref<100000x128xf32, #tpu.memory_space<hbm>>
        tpu.enqueue_indirect_dma source(%dma_start3A_116 : memref<100000x128xf32, #tpu.memory_space<hbm>>) target(%arg14 : memref<64x128xf32, #tpu.memory_space<vmem>>) offsets(%dma_start3A_113 : memref<64xi32, #tpu.memory_space<vmem>>) semaphore(%arg17 : memref<!tpu.dma_semaphore, #tpu.memory_space<semaphore_mem>>)
        %dma_start3A_117 = tpu.memref_slice %arg9[%mul3A_108] : memref<6272xi32, #tpu.memory_space<vmem>> -> memref<64xi32, #tpu.memory_space<vmem>>
        %dma_start3A_118 = arith.constant 0 : i32
        %dma_start3A_119 = arith.constant 0 : i32
        %dma_start3A_120 = tpu.memref_slice %arg2[%dma_start3A_118, %dma_start3A_119] : memref<100000x128xf32, #tpu.memory_space<hbm>> -> memref<100000x128xf32, #tpu.memory_space<hbm>>
        tpu.enqueue_indirect_dma source(%dma_start3A_120 : memref<100000x128xf32, #tpu.memory_space<hbm>>) target(%arg15 : memref<64x128xf32, #tpu.memory_space<vmem>>) offsets(%dma_start3A_117 : memref<64xi32, #tpu.memory_space<vmem>>) semaphore(%arg17 : memref<!tpu.dma_semaphore, #tpu.memory_space<semaphore_mem>>)
      } else {
      }
      %lt3A_84 = arith.cmpi slt, %add3A_73, %select_n3A : i32
      %convert_element_type3A_85 = arith.extui %lt3A_84 : i1 to i32
      %cond3A_86 = arith.constant 0 : i32
      %cond3A_87 = arith.cmpi ne, %convert_element_type3A_85, %cond3A_86 : i32
      scf.if %cond3A_87 {
        %mul3A_107 = arith.constant 64 : i32
        %mul3A_108 = arith.muli %add3A_73, %mul3A_107 : i32
        %dma_wait3A_109 = tpu.memref_slice %arg7[%mul3A_108] : memref<6272xi32, #tpu.memory_space<vmem>> -> memref<64xi32, #tpu.memory_space<vmem>>
        %dma_wait3A_110 = arith.constant 0 : i32
        %dma_wait3A_111 = arith.constant 0 : i32
        %dma_wait3A_112 = tpu.memref_slice %arg2[%dma_wait3A_110, %dma_wait3A_111] : memref<100000x128xf32, #tpu.memory_space<hbm>> -> memref<100000x128xf32, #tpu.memory_space<hbm>>
        tpu.wait_indirect_dma semaphore(%arg16 : memref<!tpu.dma_semaphore, #tpu.memory_space<semaphore_mem>>) src(%dma_wait3A_112 : memref<100000x128xf32, #tpu.memory_space<hbm>>) dst(%arg10 : memref<64x128xf32, #tpu.memory_space<vmem>>)
        %dma_wait3A_113 = tpu.memref_slice %arg8[%mul3A_108] : memref<6272xi32, #tpu.memory_space<vmem>> -> memref<64xi32, #tpu.memory_space<vmem>>
        %dma_wait3A_114 = arith.constant 0 : i32
        %dma_wait3A_115 = arith.constant 0 : i32
        %dma_wait3A_116 = tpu.memref_slice %arg2[%dma_wait3A_114, %dma_wait3A_115] : memref<100000x128xf32, #tpu.memory_space<hbm>> -> memref<100000x128xf32, #tpu.memory_space<hbm>>
        tpu.wait_indirect_dma semaphore(%arg16 : memref<!tpu.dma_semaphore, #tpu.memory_space<semaphore_mem>>) src(%dma_wait3A_116 : memref<100000x128xf32, #tpu.memory_space<hbm>>) dst(%arg11 : memref<64x128xf32, #tpu.memory_space<vmem>>)
        %dma_wait3A_117 = tpu.memref_slice %arg9[%mul3A_108] : memref<6272xi32, #tpu.memory_space<vmem>> -> memref<64xi32, #tpu.memory_space<vmem>>
        %dma_wait3A_118 = arith.constant 0 : i32
        %dma_wait3A_119 = arith.constant 0 : i32
        %dma_wait3A_120 = tpu.memref_slice %arg2[%dma_wait3A_118, %dma_wait3A_119] : memref<100000x128xf32, #tpu.memory_space<hbm>> -> memref<100000x128xf32, #tpu.memory_space<hbm>>
        tpu.wait_indirect_dma semaphore(%arg16 : memref<!tpu.dma_semaphore, #tpu.memory_space<semaphore_mem>>) src(%dma_wait3A_120 : memref<100000x128xf32, #tpu.memory_space<hbm>>) dst(%arg12 : memref<64x128xf32, #tpu.memory_space<vmem>>)
        %scan3A_121 = arith.constant 0 : i32
        %scan3A_122 = arith.constant 64 : i32
        %scan3A_123 = arith.addi %scan3A_121, %scan3A_122 : i32
        %scan3A_124 = arith.constant 2 : i32
        scf.for %scan3A_133 = %scan3A_121 to %scan3A_123 step %scan3A_124  : i32 {
          %mul3A_134 = arith.constant 1 : i32
          %mul3A_135 = arith.muli %scan3A_133, %mul3A_134 : i32
          %add3A_136 = arith.constant 0 : i32
          %add3A_137 = arith.addi %add3A_136, %mul3A_135 : i32
          %scan3A_138 = arith.constant 0 : i32
          %mul3A_139 = arith.constant 16 : i32
          %mul3A_140 = arith.muli %scan3A_138, %mul3A_139 : i32
          %add3A_141 = arith.constant 0 : i32
          %add3A_142 = arith.addi %add3A_141, %mul3A_140 : i32
          %get3A = arith.index_cast %add3A_137 : i32 to index
          %get3A_143 = arith.index_cast %add3A_142 : i32 to index
          %get3A_144 = tpu.vector_load %arg11[%get3A, %get3A_143] {strides = array<i32>} : memref<64x128xf32, #tpu.memory_space<vmem>>, vector<1x16xf32>,
          %get3A_145 = vector.shape_cast %get3A_144 : vector<1x16xf32> to vector<16xf32>
          %get3A_146 = arith.index_cast %add3A_137 : i32 to index
          %get3A_147 = arith.index_cast %add3A_142 : i32 to index
          %get3A_148 = tpu.vector_load %arg12[%get3A_146, %get3A_147] {strides = array<i32>} : memref<64x128xf32, #tpu.memory_space<vmem>>, vector<1x16xf32>,
          %get3A_149 = vector.shape_cast %get3A_148 : vector<1x16xf32> to vector<16xf32>
          %add3A_150 = arith.addf %get3A_145, %get3A_149 : vector<16xf32>
          %swap3A = arith.index_cast %add3A_137 : i32 to index
          %swap3A_151 = arith.index_cast %add3A_142 : i32 to index
          %swap3A_152 = tpu.vector_load %arg10[%swap3A, %swap3A_151] {strides = array<i32>} : memref<64x128xf32, #tpu.memory_space<vmem>>, vector<1x16xf32>,
          %swap3A_153 = vector.shape_cast %swap3A_152 : vector<1x16xf32> to vector<16xf32>
          %swap3A_154 = vector.shape_cast %add3A_150 : vector<16xf32> to vector<1x16xf32>
          tpu.vector_store %arg10[%swap3A, %swap3A_151], %swap3A_154 {add = true, strides = array<i32>} : memref<64x128xf32, #tpu.memory_space<vmem>>, vector<1x16xf32>,
          %scan3A_155 = arith.constant 1 : i32
          %mul3A_156 = arith.constant 16 : i32
          %mul3A_157 = arith.muli %scan3A_155, %mul3A_156 : i32
          %add3A_158 = arith.constant 0 : i32
          %add3A_159 = arith.addi %add3A_158, %mul3A_157 : i32
          %get3A_160 = arith.index_cast %add3A_137 : i32 to index
          %get3A_161 = arith.index_cast %add3A_159 : i32 to index
          %get3A_162 = tpu.vector_load %arg11[%get3A_160, %get3A_161] {strides = array<i32>} : memref<64x128xf32, #tpu.memory_space<vmem>>, vector<1x16xf32>,
          %get3A_163 = vector.shape_cast %get3A_162 : vector<1x16xf32> to vector<16xf32>
          %get3A_164 = arith.index_cast %add3A_137 : i32 to index
          %get3A_165 = arith.index_cast %add3A_159 : i32 to index
          %get3A_166 = tpu.vector_load %arg12[%get3A_164, %get3A_165] {strides = array<i32>} : memref<64x128xf32, #tpu.memory_space<vmem>>, vector<1x16xf32>,
          %get3A_167 = vector.shape_cast %get3A_166 : vector<1x16xf32> to vector<16xf32>
          %add3A_168 = arith.addf %get3A_163, %get3A_167 : vector<16xf32>
          %swap3A_169 = arith.index_cast %add3A_137 : i32 to index
          %swap3A_170 = arith.index_cast %add3A_159 : i32 to index
          %swap3A_171 = tpu.vector_load %arg10[%swap3A_169, %swap3A_170] {strides = array<i32>} : memref<64x128xf32, #tpu.memory_space<vmem>>, vector<1x16xf32>,
          %swap3A_172 = vector.shape_cast %swap3A_171 : vector<1x16xf32> to vector<16xf32>
          %swap3A_173 = vector.shape_cast %add3A_168 : vector<16xf32> to vector<1x16xf32>
          tpu.vector_store %arg10[%swap3A_169, %swap3A_170], %swap3A_173 {add = true, strides = array<i32>} : memref<64x128xf32, #tpu.memory_space<vmem>>, vector<1x16xf32>,
          %scan3A_174 = arith.constant 2 : i32
          %mul3A_175 = arith.constant 16 : i32
          %mul3A_176 = arith.muli %scan3A_174, %mul3A_175 : i32
          %add3A_177 = arith.constant 0 : i32
          %add3A_178 = arith.addi %add3A_177, %mul3A_176 : i32
          %get3A_179 = arith.index_cast %add3A_137 : i32 to index
          %get3A_180 = arith.index_cast %add3A_178 : i32 to index
          %get3A_181 = tpu.vector_load %arg11[%get3A_179, %get3A_180] {strides = array<i32>} : memref<64x128xf32, #tpu.memory_space<vmem>>, vector<1x16xf32>,
          %get3A_182 = vector.shape_cast %get3A_181 : vector<1x16xf32> to vector<16xf32>
          %get3A_183 = arith.index_cast %add3A_137 : i32 to index
          %get3A_184 = arith.index_cast %add3A_178 : i32 to index
          %get3A_185 = tpu.vector_load %arg12[%get3A_183, %get3A_184] {strides = array<i32>} : memref<64x128xf32, #tpu.memory_space<vmem>>, vector<1x16xf32>,
          %get3A_186 = vector.shape_cast %get3A_185 : vector<1x16xf32> to vector<16xf32>
          %add3A_187 = arith.addf %get3A_182, %get3A_186 : vector<16xf32>
          %swap3A_188 = arith.index_cast %add3A_137 : i32 to index
          %swap3A_189 = arith.index_cast %add3A_178 : i32 to index
          %swap3A_190 = tpu.vector_load %arg10[%swap3A_188, %swap3A_189] {strides = array<i32>} : memref<64x128xf32, #tpu.memory_space<vmem>>, vector<1x16xf32>,
          %swap3A_191 = vector.shape_cast %swap3A_190 : vector<1x16xf32> to vector<16xf32>
          %swap3A_192 = vector.shape_cast %add3A_187 : vector<16xf32> to vector<1x16xf32>
          tpu.vector_store %arg10[%swap3A_188, %swap3A_189], %swap3A_192 {add = true, strides = array<i32>} : memref<64x128xf32, #tpu.memory_space<vmem>>, vector<1x16xf32>,
          %scan3A_193 = arith.constant 3 : i32
          %mul3A_194 = arith.constant 16 : i32
          %mul3A_195 = arith.muli %scan3A_193, %mul3A_194 : i32
          %add3A_196 = arith.constant 0 : i32
          %add3A_197 = arith.addi %add3A_196, %mul3A_195 : i32
          %get3A_198 = arith.index_cast %add3A_137 : i32 to index
          %get3A_199 = arith.index_cast %add3A_197 : i32 to index
          %get3A_200 = tpu.vector_load %arg11[%get3A_198, %get3A_199] {strides = array<i32>} : memref<64x128xf32, #tpu.memory_space<vmem>>, vector<1x16xf32>,
          %get3A_201 = vector.shape_cast %get3A_200 : vector<1x16xf32> to vector<16xf32>
          %get3A_202 = arith.index_cast %add3A_137 : i32 to index
          %get3A_203 = arith.index_cast %add3A_197 : i32 to index
          %get3A_204 = tpu.vector_load %arg12[%get3A_202, %get3A_203] {strides = array<i32>} : memref<64x128xf32, #tpu.memory_space<vmem>>, vector<1x16xf32>,
          %get3A_205 = vector.shape_cast %get3A_204 : vector<1x16xf32> to vector<16xf32>
          %add3A_206 = arith.addf %get3A_201, %get3A_205 : vector<16xf32>
          %swap3A_207 = arith.index_cast %add3A_137 : i32 to index
          %swap3A_208 = arith.index_cast %add3A_197 : i32 to index
          %swap3A_209 = tpu.vector_load %arg10[%swap3A_207, %swap3A_208] {strides = array<i32>} : memref<64x128xf32, #tpu.memory_space<vmem>>, vector<1x16xf32>,
          %swap3A_210 = vector.shape_cast %swap3A_209 : vector<1x16xf32> to vector<16xf32>
          %swap3A_211 = vector.shape_cast %add3A_206 : vector<16xf32> to vector<1x16xf32>
          tpu.vector_store %arg10[%swap3A_207, %swap3A_208], %swap3A_211 {add = true, strides = array<i32>} : memref<64x128xf32, #tpu.memory_space<vmem>>, vector<1x16xf32>,
          %scan3A_212 = arith.constant 4 : i32
          %mul3A_213 = arith.constant 16 : i32
          %mul3A_214 = arith.muli %scan3A_212, %mul3A_213 : i32
          %add3A_215 = arith.constant 0 : i32
          %add3A_216 = arith.addi %add3A_215, %mul3A_214 : i32
          %get3A_217 = arith.index_cast %add3A_137 : i32 to index
          %get3A_218 = arith.index_cast %add3A_216 : i32 to index
          %get3A_219 = tpu.vector_load %arg11[%get3A_217, %get3A_218] {strides = array<i32>} : memref<64x128xf32, #tpu.memory_space<vmem>>, vector<1x16xf32>,
          %get3A_220 = vector.shape_cast %get3A_219 : vector<1x16xf32> to vector<16xf32>
          %get3A_221 = arith.index_cast %add3A_137 : i32 to index
          %get3A_222 = arith.index_cast %add3A_216 : i32 to index
          %get3A_223 = tpu.vector_load %arg12[%get3A_221, %get3A_222] {strides = array<i32>} : memref<64x128xf32, #tpu.memory_space<vmem>>, vector<1x16xf32>,
          %get3A_224 = vector.shape_cast %get3A_223 : vector<1x16xf32> to vector<16xf32>
          %add3A_225 = arith.addf %get3A_220, %get3A_224 : vector<16xf32>
          %swap3A_226 = arith.index_cast %add3A_137 : i32 to index
          %swap3A_227 = arith.index_cast %add3A_216 : i32 to index
          %swap3A_228 = tpu.vector_load %arg10[%swap3A_226, %swap3A_227] {strides = array<i32>} : memref<64x128xf32, #tpu.memory_space<vmem>>, vector<1x16xf32>,
          %swap3A_229 = vector.shape_cast %swap3A_228 : vector<1x16xf32> to vector<16xf32>
          %swap3A_230 = vector.shape_cast %add3A_225 : vector<16xf32> to vector<1x16xf32>
          tpu.vector_store %arg10[%swap3A_226, %swap3A_227], %swap3A_230 {add = true, strides = array<i32>} : memref<64x128xf32, #tpu.memory_space<vmem>>, vector<1x16xf32>,
          %scan3A_231 = arith.constant 5 : i32
          %mul3A_232 = arith.constant 16 : i32
          %mul3A_233 = arith.muli %scan3A_231, %mul3A_232 : i32
          %add3A_234 = arith.constant 0 : i32
          %add3A_235 = arith.addi %add3A_234, %mul3A_233 : i32
          %get3A_236 = arith.index_cast %add3A_137 : i32 to index
          %get3A_237 = arith.index_cast %add3A_235 : i32 to index
          %get3A_238 = tpu.vector_load %arg11[%get3A_236, %get3A_237] {strides = array<i32>} : memref<64x128xf32, #tpu.memory_space<vmem>>, vector<1x16xf32>,
          %get3A_239 = vector.shape_cast %get3A_238 : vector<1x16xf32> to vector<16xf32>
          %get3A_240 = arith.index_cast %add3A_137 : i32 to index
          %get3A_241 = arith.index_cast %add3A_235 : i32 to index
          %get3A_242 = tpu.vector_load %arg12[%get3A_240, %get3A_241] {strides = array<i32>} : memref<64x128xf32, #tpu.memory_space<vmem>>, vector<1x16xf32>,
          %get3A_243 = vector.shape_cast %get3A_242 : vector<1x16xf32> to vector<16xf32>
          %add3A_244 = arith.addf %get3A_239, %get3A_243 : vector<16xf32>
          %swap3A_245 = arith.index_cast %add3A_137 : i32 to index
          %swap3A_246 = arith.index_cast %add3A_235 : i32 to index
          %swap3A_247 = tpu.vector_load %arg10[%swap3A_245, %swap3A_246] {strides = array<i32>} : memref<64x128xf32, #tpu.memory_space<vmem>>, vector<1x16xf32>,
          %swap3A_248 = vector.shape_cast %swap3A_247 : vector<1x16xf32> to vector<16xf32>
          %swap3A_249 = vector.shape_cast %add3A_244 : vector<16xf32> to vector<1x16xf32>
          tpu.vector_store %arg10[%swap3A_245, %swap3A_246], %swap3A_249 {add = true, strides = array<i32>} : memref<64x128xf32, #tpu.memory_space<vmem>>, vector<1x16xf32>,
          %scan3A_250 = arith.constant 6 : i32
          %mul3A_251 = arith.constant 16 : i32
          %mul3A_252 = arith.muli %scan3A_250, %mul3A_251 : i32
          %add3A_253 = arith.constant 0 : i32
          %add3A_254 = arith.addi %add3A_253, %mul3A_252 : i32
          %get3A_255 = arith.index_cast %add3A_137 : i32 to index
          %get3A_256 = arith.index_cast %add3A_254 : i32 to index
          %get3A_257 = tpu.vector_load %arg11[%get3A_255, %get3A_256] {strides = array<i32>} : memref<64x128xf32, #tpu.memory_space<vmem>>, vector<1x16xf32>,
          %get3A_258 = vector.shape_cast %get3A_257 : vector<1x16xf32> to vector<16xf32>
          %get3A_259 = arith.index_cast %add3A_137 : i32 to index
          %get3A_260 = arith.index_cast %add3A_254 : i32 to index
          %get3A_261 = tpu.vector_load %arg12[%get3A_259, %get3A_260] {strides = array<i32>} : memref<64x128xf32, #tpu.memory_space<vmem>>, vector<1x16xf32>,
          %get3A_262 = vector.shape_cast %get3A_261 : vector<1x16xf32> to vector<16xf32>
          %add3A_263 = arith.addf %get3A_258, %get3A_262 : vector<16xf32>
          %swap3A_264 = arith.index_cast %add3A_137 : i32 to index
          %swap3A_265 = arith.index_cast %add3A_254 : i32 to index
          %swap3A_266 = tpu.vector_load %arg10[%swap3A_264, %swap3A_265] {strides = array<i32>} : memref<64x128xf32, #tpu.memory_space<vmem>>, vector<1x16xf32>,
          %swap3A_267 = vector.shape_cast %swap3A_266 : vector<1x16xf32> to vector<16xf32>
          %swap3A_268 = vector.shape_cast %add3A_263 : vector<16xf32> to vector<1x16xf32>
          tpu.vector_store %arg10[%swap3A_264, %swap3A_265], %swap3A_268 {add = true, strides = array<i32>} : memref<64x128xf32, #tpu.memory_space<vmem>>, vector<1x16xf32>,
          %scan3A_269 = arith.constant 7 : i32
          %mul3A_270 = arith.constant 16 : i32
          %mul3A_271 = arith.muli %scan3A_269, %mul3A_270 : i32
          %add3A_272 = arith.constant 0 : i32
          %add3A_273 = arith.addi %add3A_272, %mul3A_271 : i32
          %get3A_274 = arith.index_cast %add3A_137 : i32 to index
          %get3A_275 = arith.index_cast %add3A_273 : i32 to index
          %get3A_276 = tpu.vector_load %arg11[%get3A_274, %get3A_275] {strides = array<i32>} : memref<64x128xf32, #tpu.memory_space<vmem>>, vector<1x16xf32>,
          %get3A_277 = vector.shape_cast %get3A_276 : vector<1x16xf32> to vector<16xf32>
          %get3A_278 = arith.index_cast %add3A_137 : i32 to index
          %get3A_279 = arith.index_cast %add3A_273 : i32 to index
          %get3A_280 = tpu.vector_load %arg12[%get3A_278, %get3A_279] {strides = array<i32>} : memref<64x128xf32, #tpu.memory_space<vmem>>, vector<1x16xf32>,
          %get3A_281 = vector.shape_cast %get3A_280 : vector<1x16xf32> to vector<16xf32>
          %add3A_282 = arith.addf %get3A_277, %get3A_281 : vector<16xf32>
          %swap3A_283 = arith.index_cast %add3A_137 : i32 to index
          %swap3A_284 = arith.index_cast %add3A_273 : i32 to index
          %swap3A_285 = tpu.vector_load %arg10[%swap3A_283, %swap3A_284] {strides = array<i32>} : memref<64x128xf32, #tpu.memory_space<vmem>>, vector<1x16xf32>,
          %swap3A_286 = vector.shape_cast %swap3A_285 : vector<1x16xf32> to vector<16xf32>
          %swap3A_287 = vector.shape_cast %add3A_282 : vector<16xf32> to vector<1x16xf32>
          tpu.vector_store %arg10[%swap3A_283, %swap3A_284], %swap3A_287 {add = true, strides = array<i32>} : memref<64x128xf32, #tpu.memory_space<vmem>>, vector<1x16xf32>,
          %scan3A_288 = arith.constant 8 : i32
          %scan3A_289 = arith.constant 1 : i32
          %scan3A_290 = arith.addi %scan3A_133, %scan3A_289 : i32
          %mul3A_291 = arith.constant 1 : i32
          %mul3A_292 = arith.muli %scan3A_290, %mul3A_291 : i32
          %add3A_293 = arith.constant 0 : i32
          %add3A_294 = arith.addi %add3A_293, %mul3A_292 : i32
          %scan3A_295 = arith.constant 0 : i32
          %mul3A_296 = arith.constant 16 : i32
          %mul3A_297 = arith.muli %scan3A_295, %mul3A_296 : i32
          %add3A_298 = arith.constant 0 : i32
          %add3A_299 = arith.addi %add3A_298, %mul3A_297 : i32
          %get3A_300 = arith.index_cast %add3A_294 : i32 to index
          %get3A_301 = arith.index_cast %add3A_299 : i32 to index
          %get3A_302 = tpu.vector_load %arg11[%get3A_300, %get3A_301] {strides = array<i32>} : memref<64x128xf32, #tpu.memory_space<vmem>>, vector<1x16xf32>,
          %get3A_303 = vector.shape_cast %get3A_302 : vector<1x16xf32> to vector<16xf32>
          %get3A_304 = arith.index_cast %add3A_294 : i32 to index
          %get3A_305 = arith.index_cast %add3A_299 : i32 to index
          %get3A_306 = tpu.vector_load %arg12[%get3A_304, %get3A_305] {strides = array<i32>} : memref<64x128xf32, #tpu.memory_space<vmem>>, vector<1x16xf32>,
          %get3A_307 = vector.shape_cast %get3A_306 : vector<1x16xf32> to vector<16xf32>
          %add3A_308 = arith.addf %get3A_303, %get3A_307 : vector<16xf32>
          %swap3A_309 = arith.index_cast %add3A_294 : i32 to index
          %swap3A_310 = arith.index_cast %add3A_299 : i32 to index
          %swap3A_311 = tpu.vector_load %arg10[%swap3A_309, %swap3A_310] {strides = array<i32>} : memref<64x128xf32, #tpu.memory_space<vmem>>, vector<1x16xf32>,
          %swap3A_312 = vector.shape_cast %swap3A_311 : vector<1x16xf32> to vector<16xf32>
          %swap3A_313 = vector.shape_cast %add3A_308 : vector<16xf32> to vector<1x16xf32>
          tpu.vector_store %arg10[%swap3A_309, %swap3A_310], %swap3A_313 {add = true, strides = array<i32>} : memref<64x128xf32, #tpu.memory_space<vmem>>, vector<1x16xf32>,
          %scan3A_314 = arith.constant 1 : i32
          %mul3A_315 = arith.constant 16 : i32
          %mul3A_316 = arith.muli %scan3A_314, %mul3A_315 : i32
          %add3A_317 = arith.constant 0 : i32
          %add3A_318 = arith.addi %add3A_317, %mul3A_316 : i32
          %get3A_319 = arith.index_cast %add3A_294 : i32 to index
          %get3A_320 = arith.index_cast %add3A_318 : i32 to index
          %get3A_321 = tpu.vector_load %arg11[%get3A_319, %get3A_320] {strides = array<i32>} : memref<64x128xf32, #tpu.memory_space<vmem>>, vector<1x16xf32>,
          %get3A_322 = vector.shape_cast %get3A_321 : vector<1x16xf32> to vector<16xf32>
          %get3A_323 = arith.index_cast %add3A_294 : i32 to index
          %get3A_324 = arith.index_cast %add3A_318 : i32 to index
          %get3A_325 = tpu.vector_load %arg12[%get3A_323, %get3A_324] {strides = array<i32>} : memref<64x128xf32, #tpu.memory_space<vmem>>, vector<1x16xf32>,
          %get3A_326 = vector.shape_cast %get3A_325 : vector<1x16xf32> to vector<16xf32>
          %add3A_327 = arith.addf %get3A_322, %get3A_326 : vector<16xf32>
          %swap3A_328 = arith.index_cast %add3A_294 : i32 to index
          %swap3A_329 = arith.index_cast %add3A_318 : i32 to index
          %swap3A_330 = tpu.vector_load %arg10[%swap3A_328, %swap3A_329] {strides = array<i32>} : memref<64x128xf32, #tpu.memory_space<vmem>>, vector<1x16xf32>,
          %swap3A_331 = vector.shape_cast %swap3A_330 : vector<1x16xf32> to vector<16xf32>
          %swap3A_332 = vector.shape_cast %add3A_327 : vector<16xf32> to vector<1x16xf32>
          tpu.vector_store %arg10[%swap3A_328, %swap3A_329], %swap3A_332 {add = true, strides = array<i32>} : memref<64x128xf32, #tpu.memory_space<vmem>>, vector<1x16xf32>,
          %scan3A_333 = arith.constant 2 : i32
          %mul3A_334 = arith.constant 16 : i32
          %mul3A_335 = arith.muli %scan3A_333, %mul3A_334 : i32
          %add3A_336 = arith.constant 0 : i32
          %add3A_337 = arith.addi %add3A_336, %mul3A_335 : i32
          %get3A_338 = arith.index_cast %add3A_294 : i32 to index
          %get3A_339 = arith.index_cast %add3A_337 : i32 to index
          %get3A_340 = tpu.vector_load %arg11[%get3A_338, %get3A_339] {strides = array<i32>} : memref<64x128xf32, #tpu.memory_space<vmem>>, vector<1x16xf32>,
          %get3A_341 = vector.shape_cast %get3A_340 : vector<1x16xf32> to vector<16xf32>
          %get3A_342 = arith.index_cast %add3A_294 : i32 to index
          %get3A_343 = arith.index_cast %add3A_337 : i32 to index
          %get3A_344 = tpu.vector_load %arg12[%get3A_342, %get3A_343] {strides = array<i32>} : memref<64x128xf32, #tpu.memory_space<vmem>>, vector<1x16xf32>,
          %get3A_345 = vector.shape_cast %get3A_344 : vector<1x16xf32> to vector<16xf32>
          %add3A_346 = arith.addf %get3A_341, %get3A_345 : vector<16xf32>
          %swap3A_347 = arith.index_cast %add3A_294 : i32 to index
          %swap3A_348 = arith.index_cast %add3A_337 : i32 to index
          %swap3A_349 = tpu.vector_load %arg10[%swap3A_347, %swap3A_348] {strides = array<i32>} : memref<64x128xf32, #tpu.memory_space<vmem>>, vector<1x16xf32>,
          %swap3A_350 = vector.shape_cast %swap3A_349 : vector<1x16xf32> to vector<16xf32>
          %swap3A_351 = vector.shape_cast %add3A_346 : vector<16xf32> to vector<1x16xf32>
          tpu.vector_store %arg10[%swap3A_347, %swap3A_348], %swap3A_351 {add = true, strides = array<i32>} : memref<64x128xf32, #tpu.memory_space<vmem>>, vector<1x16xf32>,
          %scan3A_352 = arith.constant 3 : i32
          %mul3A_353 = arith.constant 16 : i32
          %mul3A_354 = arith.muli %scan3A_352, %mul3A_353 : i32
          %add3A_355 = arith.constant 0 : i32
          %add3A_356 = arith.addi %add3A_355, %mul3A_354 : i32
          %get3A_357 = arith.index_cast %add3A_294 : i32 to index
          %get3A_358 = arith.index_cast %add3A_356 : i32 to index
          %get3A_359 = tpu.vector_load %arg11[%get3A_357, %get3A_358] {strides = array<i32>} : memref<64x128xf32, #tpu.memory_space<vmem>>, vector<1x16xf32>,
          %get3A_360 = vector.shape_cast %get3A_359 : vector<1x16xf32> to vector<16xf32>
          %get3A_361 = arith.index_cast %add3A_294 : i32 to index
          %get3A_362 = arith.index_cast %add3A_356 : i32 to index
          %get3A_363 = tpu.vector_load %arg12[%get3A_361, %get3A_362] {strides = array<i32>} : memref<64x128xf32, #tpu.memory_space<vmem>>, vector<1x16xf32>,
          %get3A_364 = vector.shape_cast %get3A_363 : vector<1x16xf32> to vector<16xf32>
          %add3A_365 = arith.addf %get3A_360, %get3A_364 : vector<16xf32>
          %swap3A_366 = arith.index_cast %add3A_294 : i32 to index
          %swap3A_367 = arith.index_cast %add3A_356 : i32 to index
          %swap3A_368 = tpu.vector_load %arg10[%swap3A_366, %swap3A_367] {strides = array<i32>} : memref<64x128xf32, #tpu.memory_space<vmem>>, vector<1x16xf32>,
          %swap3A_369 = vector.shape_cast %swap3A_368 : vector<1x16xf32> to vector<16xf32>
          %swap3A_370 = vector.shape_cast %add3A_365 : vector<16xf32> to vector<1x16xf32>
          tpu.vector_store %arg10[%swap3A_366, %swap3A_367], %swap3A_370 {add = true, strides = array<i32>} : memref<64x128xf32, #tpu.memory_space<vmem>>, vector<1x16xf32>,
          %scan3A_371 = arith.constant 4 : i32
          %mul3A_372 = arith.constant 16 : i32
          %mul3A_373 = arith.muli %scan3A_371, %mul3A_372 : i32
          %add3A_374 = arith.constant 0 : i32
          %add3A_375 = arith.addi %add3A_374, %mul3A_373 : i32
          %get3A_376 = arith.index_cast %add3A_294 : i32 to index
          %get3A_377 = arith.index_cast %add3A_375 : i32 to index
          %get3A_378 = tpu.vector_load %arg11[%get3A_376, %get3A_377] {strides = array<i32>} : memref<64x128xf32, #tpu.memory_space<vmem>>, vector<1x16xf32>,
          %get3A_379 = vector.shape_cast %get3A_378 : vector<1x16xf32> to vector<16xf32>
          %get3A_380 = arith.index_cast %add3A_294 : i32 to index
          %get3A_381 = arith.index_cast %add3A_375 : i32 to index
          %get3A_382 = tpu.vector_load %arg12[%get3A_380, %get3A_381] {strides = array<i32>} : memref<64x128xf32, #tpu.memory_space<vmem>>, vector<1x16xf32>,
          %get3A_383 = vector.shape_cast %get3A_382 : vector<1x16xf32> to vector<16xf32>
          %add3A_384 = arith.addf %get3A_379, %get3A_383 : vector<16xf32>
          %swap3A_385 = arith.index_cast %add3A_294 : i32 to index
          %swap3A_386 = arith.index_cast %add3A_375 : i32 to index
          %swap3A_387 = tpu.vector_load %arg10[%swap3A_385, %swap3A_386] {strides = array<i32>} : memref<64x128xf32, #tpu.memory_space<vmem>>, vector<1x16xf32>,
          %swap3A_388 = vector.shape_cast %swap3A_387 : vector<1x16xf32> to vector<16xf32>
          %swap3A_389 = vector.shape_cast %add3A_384 : vector<16xf32> to vector<1x16xf32>
          tpu.vector_store %arg10[%swap3A_385, %swap3A_386], %swap3A_389 {add = true, strides = array<i32>} : memref<64x128xf32, #tpu.memory_space<vmem>>, vector<1x16xf32>,
          %scan3A_390 = arith.constant 5 : i32
          %mul3A_391 = arith.constant 16 : i32
          %mul3A_392 = arith.muli %scan3A_390, %mul3A_391 : i32
          %add3A_393 = arith.constant 0 : i32
          %add3A_394 = arith.addi %add3A_393, %mul3A_392 : i32
          %get3A_395 = arith.index_cast %add3A_294 : i32 to index
          %get3A_396 = arith.index_cast %add3A_394 : i32 to index
          %get3A_397 = tpu.vector_load %arg11[%get3A_395, %get3A_396] {strides = array<i32>} : memref<64x128xf32, #tpu.memory_space<vmem>>, vector<1x16xf32>,
          %get3A_398 = vector.shape_cast %get3A_397 : vector<1x16xf32> to vector<16xf32>
          %get3A_399 = arith.index_cast %add3A_294 : i32 to index
          %get3A_400 = arith.index_cast %add3A_394 : i32 to index
          %get3A_401 = tpu.vector_load %arg12[%get3A_399, %get3A_400] {strides = array<i32>} : memref<64x128xf32, #tpu.memory_space<vmem>>, vector<1x16xf32>,
          %get3A_402 = vector.shape_cast %get3A_401 : vector<1x16xf32> to vector<16xf32>
          %add3A_403 = arith.addf %get3A_398, %get3A_402 : vector<16xf32>
          %swap3A_404 = arith.index_cast %add3A_294 : i32 to index
          %swap3A_405 = arith.index_cast %add3A_394 : i32 to index
          %swap3A_406 = tpu.vector_load %arg10[%swap3A_404, %swap3A_405] {strides = array<i32>} : memref<64x128xf32, #tpu.memory_space<vmem>>, vector<1x16xf32>,
          %swap3A_407 = vector.shape_cast %swap3A_406 : vector<1x16xf32> to vector<16xf32>
          %swap3A_408 = vector.shape_cast %add3A_403 : vector<16xf32> to vector<1x16xf32>
          tpu.vector_store %arg10[%swap3A_404, %swap3A_405], %swap3A_408 {add = true, strides = array<i32>} : memref<64x128xf32, #tpu.memory_space<vmem>>, vector<1x16xf32>,
          %scan3A_409 = arith.constant 6 : i32
          %mul3A_410 = arith.constant 16 : i32
          %mul3A_411 = arith.muli %scan3A_409, %mul3A_410 : i32
          %add3A_412 = arith.constant 0 : i32
          %add3A_413 = arith.addi %add3A_412, %mul3A_411 : i32
          %get3A_414 = arith.index_cast %add3A_294 : i32 to index
          %get3A_415 = arith.index_cast %add3A_413 : i32 to index
          %get3A_416 = tpu.vector_load %arg11[%get3A_414, %get3A_415] {strides = array<i32>} : memref<64x128xf32, #tpu.memory_space<vmem>>, vector<1x16xf32>,
          %get3A_417 = vector.shape_cast %get3A_416 : vector<1x16xf32> to vector<16xf32>
          %get3A_418 = arith.index_cast %add3A_294 : i32 to index
          %get3A_419 = arith.index_cast %add3A_413 : i32 to index
          %get3A_420 = tpu.vector_load %arg12[%get3A_418, %get3A_419] {strides = array<i32>} : memref<64x128xf32, #tpu.memory_space<vmem>>, vector<1x16xf32>,
          %get3A_421 = vector.shape_cast %get3A_420 : vector<1x16xf32> to vector<16xf32>
          %add3A_422 = arith.addf %get3A_417, %get3A_421 : vector<16xf32>
          %swap3A_423 = arith.index_cast %add3A_294 : i32 to index
          %swap3A_424 = arith.index_cast %add3A_413 : i32 to index
          %swap3A_425 = tpu.vector_load %arg10[%swap3A_423, %swap3A_424] {strides = array<i32>} : memref<64x128xf32, #tpu.memory_space<vmem>>, vector<1x16xf32>,
          %swap3A_426 = vector.shape_cast %swap3A_425 : vector<1x16xf32> to vector<16xf32>
          %swap3A_427 = vector.shape_cast %add3A_422 : vector<16xf32> to vector<1x16xf32>
          tpu.vector_store %arg10[%swap3A_423, %swap3A_424], %swap3A_427 {add = true, strides = array<i32>} : memref<64x128xf32, #tpu.memory_space<vmem>>, vector<1x16xf32>,
          %scan3A_428 = arith.constant 7 : i32
          %mul3A_429 = arith.constant 16 : i32
          %mul3A_430 = arith.muli %scan3A_428, %mul3A_429 : i32
          %add3A_431 = arith.constant 0 : i32
          %add3A_432 = arith.addi %add3A_431, %mul3A_430 : i32
          %get3A_433 = arith.index_cast %add3A_294 : i32 to index
          %get3A_434 = arith.index_cast %add3A_432 : i32 to index
          %get3A_435 = tpu.vector_load %arg11[%get3A_433, %get3A_434] {strides = array<i32>} : memref<64x128xf32, #tpu.memory_space<vmem>>, vector<1x16xf32>,
          %get3A_436 = vector.shape_cast %get3A_435 : vector<1x16xf32> to vector<16xf32>
          %get3A_437 = arith.index_cast %add3A_294 : i32 to index
          %get3A_438 = arith.index_cast %add3A_432 : i32 to index
          %get3A_439 = tpu.vector_load %arg12[%get3A_437, %get3A_438] {strides = array<i32>} : memref<64x128xf32, #tpu.memory_space<vmem>>, vector<1x16xf32>,
          %get3A_440 = vector.shape_cast %get3A_439 : vector<1x16xf32> to vector<16xf32>
          %add3A_441 = arith.addf %get3A_436, %get3A_440 : vector<16xf32>
          %swap3A_442 = arith.index_cast %add3A_294 : i32 to index
          %swap3A_443 = arith.index_cast %add3A_432 : i32 to index
          %swap3A_444 = tpu.vector_load %arg10[%swap3A_442, %swap3A_443] {strides = array<i32>} : memref<64x128xf32, #tpu.memory_space<vmem>>, vector<1x16xf32>,
          %swap3A_445 = vector.shape_cast %swap3A_444 : vector<1x16xf32> to vector<16xf32>
          %swap3A_446 = vector.shape_cast %add3A_441 : vector<16xf32> to vector<1x16xf32>
          tpu.vector_store %arg10[%swap3A_442, %swap3A_443], %swap3A_446 {add = true, strides = array<i32>} : memref<64x128xf32, #tpu.memory_space<vmem>>, vector<1x16xf32>,
          %scan3A_447 = arith.constant 8 : i32
        }
        %scan3A_125 = arith.constant 64 : i32
        %mul3A_126 = arith.constant 64 : i32
        %mul3A_127 = arith.muli %add3A_73, %mul3A_126 : i32
        %add3A_128 = arith.addi %mul3A_2, %mul3A_127 : i32
        %dma_start3A_129 = arith.constant 0 : i32
        %dma_start3A_130 = tpu.memref_slice %arg6[%add3A_128, %dma_start3A_129] : memref<200000x128xf32, #tpu.memory_space<hbm>> -> memref<64x128xf32, #tpu.memory_space<hbm>>
        %dma_start3A_131 = arith.constant 0 : i32
        %dma_start3A_132 = tpu.memref_slice %arg6[%add3A_128, %dma_start3A_131] : memref<200000x128xf32, #tpu.memory_space<hbm>> -> memref<64x128xf32, #tpu.memory_space<hbm>>
        tpu.enqueue_dma source(%arg10 : memref<64x128xf32, #tpu.memory_space<vmem>>) target(%dma_start3A_132 : memref<64x128xf32, #tpu.memory_space<hbm>>) target_semaphore(%arg18 : memref<!tpu.dma_semaphore, #tpu.memory_space<semaphore_mem>>)
      } else {
      }
      %add3A_88 = arith.constant 1 : i32
      %add3A_89 = arith.addi %add3A_73, %add3A_88 : i32
      %add3A_90 = arith.constant 1 : i32
      %add3A_91 = arith.addi %add3A_89, %add3A_90 : i32
      %ge3A_92 = arith.constant 2 : i32
      %ge3A_93 = arith.cmpi sge, %add3A_91, %ge3A_92 : i32
      %lt3A_94 = arith.cmpi slt, %add3A_91, %select_n3A : i32
      %and3A_95 = arith.andi %ge3A_93, %lt3A_94 : i1
      %convert_element_type3A_96 = arith.extui %and3A_95 : i1 to i32
      %cond3A_97 = arith.constant 0 : i32
      %cond3A_98 = arith.cmpi ne, %convert_element_type3A_96, %cond3A_97 : i32
      scf.if %cond3A_98 {
        %sub3A_107 = arith.constant 2 : i32
        %sub3A_108 = arith.subi %add3A_91, %sub3A_107 : i32
        %mul3A_109 = arith.constant 64 : i32
        %mul3A_110 = arith.muli %sub3A_108, %mul3A_109 : i32
        %add3A_111 = arith.addi %mul3A_2, %mul3A_110 : i32
        %dma_wait3A_112 = arith.constant 0 : i32
        %dma_wait3A_113 = tpu.memref_slice %arg6[%add3A_111, %dma_wait3A_112] : memref<200000x128xf32, #tpu.memory_space<hbm>> -> memref<64x128xf32, #tpu.memory_space<hbm>>
        %dma_wait3A_114 = arith.constant 0 : i32
        %dma_wait3A_115 = tpu.memref_slice %arg6[%add3A_111, %dma_wait3A_114] : memref<200000x128xf32, #tpu.memory_space<hbm>> -> memref<64x128xf32, #tpu.memory_space<hbm>>
        tpu.wait_dma2 semaphore(%arg18 : memref<!tpu.dma_semaphore, #tpu.memory_space<semaphore_mem>>) src(%arg10 : memref<64x128xf32, #tpu.memory_space<vmem>>) dst(%dma_wait3A_115 : memref<64x128xf32, #tpu.memory_space<hbm>>)
      } else {
      }
      %lt3A_99 = arith.cmpi slt, %add3A_91, %select_n3A : i32
      %convert_element_type3A_100 = arith.extui %lt3A_99 : i1 to i32
      %cond3A_101 = arith.constant 0 : i32
      %cond3A_102 = arith.cmpi ne, %convert_element_type3A_100, %cond3A_101 : i32
      scf.if %cond3A_102 {
        %mul3A_107 = arith.constant 64 : i32
        %mul3A_108 = arith.muli %add3A_91, %mul3A_107 : i32
        %dma_start3A_109 = tpu.memref_slice %arg7[%mul3A_108] : memref<6272xi32, #tpu.memory_space<vmem>> -> memref<64xi32, #tpu.memory_space<vmem>>
        %dma_start3A_110 = arith.constant 0 : i32
        %dma_start3A_111 = arith.constant 0 : i32
        %dma_start3A_112 = tpu.memref_slice %arg2[%dma_start3A_110, %dma_start3A_111] : memref<100000x128xf32, #tpu.memory_space<hbm>> -> memref<100000x128xf32, #tpu.memory_space<hbm>>
        tpu.enqueue_indirect_dma source(%dma_start3A_112 : memref<100000x128xf32, #tpu.memory_space<hbm>>) target(%arg10 : memref<64x128xf32, #tpu.memory_space<vmem>>) offsets(%dma_start3A_109 : memref<64xi32, #tpu.memory_space<vmem>>) semaphore(%arg16 : memref<!tpu.dma_semaphore, #tpu.memory_space<semaphore_mem>>)
        %dma_start3A_113 = tpu.memref_slice %arg8[%mul3A_108] : memref<6272xi32, #tpu.memory_space<vmem>> -> memref<64xi32, #tpu.memory_space<vmem>>
        %dma_start3A_114 = arith.constant 0 : i32
        %dma_start3A_115 = arith.constant 0 : i32
        %dma_start3A_116 = tpu.memref_slice %arg2[%dma_start3A_114, %dma_start3A_115] : memref<100000x128xf32, #tpu.memory_space<hbm>> -> memref<100000x128xf32, #tpu.memory_space<hbm>>
        tpu.enqueue_indirect_dma source(%dma_start3A_116 : memref<100000x128xf32, #tpu.memory_space<hbm>>) target(%arg11 : memref<64x128xf32, #tpu.memory_space<vmem>>) offsets(%dma_start3A_113 : memref<64xi32, #tpu.memory_space<vmem>>) semaphore(%arg16 : memref<!tpu.dma_semaphore, #tpu.memory_space<semaphore_mem>>)
        %dma_start3A_117 = tpu.memref_slice %arg9[%mul3A_108] : memref<6272xi32, #tpu.memory_space<vmem>> -> memref<64xi32, #tpu.memory_space<vmem>>
        %dma_start3A_118 = arith.constant 0 : i32
        %dma_start3A_119 = arith.constant 0 : i32
        %dma_start3A_120 = tpu.memref_slice %arg2[%dma_start3A_118, %dma_start3A_119] : memref<100000x128xf32, #tpu.memory_space<hbm>> -> memref<100000x128xf32, #tpu.memory_space<hbm>>
        tpu.enqueue_indirect_dma source(%dma_start3A_120 : memref<100000x128xf32, #tpu.memory_space<hbm>>) target(%arg12 : memref<64x128xf32, #tpu.memory_space<vmem>>) offsets(%dma_start3A_117 : memref<64xi32, #tpu.memory_space<vmem>>) semaphore(%arg16 : memref<!tpu.dma_semaphore, #tpu.memory_space<semaphore_mem>>)
      } else {
      }
      %lt3A_103 = arith.cmpi slt, %add3A_89, %select_n3A : i32
      %convert_element_type3A_104 = arith.extui %lt3A_103 : i1 to i32
      %cond3A_105 = arith.constant 0 : i32
      %cond3A_106 = arith.cmpi ne, %convert_element_type3A_104, %cond3A_105 : i32
      scf.if %cond3A_106 {
        %mul3A_107 = arith.constant 64 : i32
        %mul3A_108 = arith.muli %add3A_89, %mul3A_107 : i32
        %dma_wait3A_109 = tpu.memref_slice %arg7[%mul3A_108] : memref<6272xi32, #tpu.memory_space<vmem>> -> memref<64xi32, #tpu.memory_space<vmem>>
        %dma_wait3A_110 = arith.constant 0 : i32
        %dma_wait3A_111 = arith.constant 0 : i32
        %dma_wait3A_112 = tpu.memref_slice %arg2[%dma_wait3A_110, %dma_wait3A_111] : memref<100000x128xf32, #tpu.memory_space<hbm>> -> memref<100000x128xf32, #tpu.memory_space<hbm>>
        tpu.wait_indirect_dma semaphore(%arg17 : memref<!tpu.dma_semaphore, #tpu.memory_space<semaphore_mem>>) src(%dma_wait3A_112 : memref<100000x128xf32, #tpu.memory_space<hbm>>) dst(%arg13 : memref<64x128xf32, #tpu.memory_space<vmem>>)
        %dma_wait3A_113 = tpu.memref_slice %arg8[%mul3A_108] : memref<6272xi32, #tpu.memory_space<vmem>> -> memref<64xi32, #tpu.memory_space<vmem>>
        %dma_wait3A_114 = arith.constant 0 : i32
        %dma_wait3A_115 = arith.constant 0 : i32
        %dma_wait3A_116 = tpu.memref_slice %arg2[%dma_wait3A_114, %dma_wait3A_115] : memref<100000x128xf32, #tpu.memory_space<hbm>> -> memref<100000x128xf32, #tpu.memory_space<hbm>>
        tpu.wait_indirect_dma semaphore(%arg17 : memref<!tpu.dma_semaphore, #tpu.memory_space<semaphore_mem>>) src(%dma_wait3A_116 : memref<100000x128xf32, #tpu.memory_space<hbm>>) dst(%arg14 : memref<64x128xf32, #tpu.memory_space<vmem>>)
        %dma_wait3A_117 = tpu.memref_slice %arg9[%mul3A_108] : memref<6272xi32, #tpu.memory_space<vmem>> -> memref<64xi32, #tpu.memory_space<vmem>>
        %dma_wait3A_118 = arith.constant 0 : i32
        %dma_wait3A_119 = arith.constant 0 : i32
        %dma_wait3A_120 = tpu.memref_slice %arg2[%dma_wait3A_118, %dma_wait3A_119] : memref<100000x128xf32, #tpu.memory_space<hbm>> -> memref<100000x128xf32, #tpu.memory_space<hbm>>
        tpu.wait_indirect_dma semaphore(%arg17 : memref<!tpu.dma_semaphore, #tpu.memory_space<semaphore_mem>>) src(%dma_wait3A_120 : memref<100000x128xf32, #tpu.memory_space<hbm>>) dst(%arg15 : memref<64x128xf32, #tpu.memory_space<vmem>>)
        %scan3A_121 = arith.constant 0 : i32
        %scan3A_122 = arith.constant 64 : i32
        %scan3A_123 = arith.addi %scan3A_121, %scan3A_122 : i32
        %scan3A_124 = arith.constant 2 : i32
        scf.for %scan3A_133 = %scan3A_121 to %scan3A_123 step %scan3A_124  : i32 {
          %mul3A_134 = arith.constant 1 : i32
          %mul3A_135 = arith.muli %scan3A_133, %mul3A_134 : i32
          %add3A_136 = arith.constant 0 : i32
          %add3A_137 = arith.addi %add3A_136, %mul3A_135 : i32
          %scan3A_138 = arith.constant 0 : i32
          %mul3A_139 = arith.constant 16 : i32
          %mul3A_140 = arith.muli %scan3A_138, %mul3A_139 : i32
          %add3A_141 = arith.constant 0 : i32
          %add3A_142 = arith.addi %add3A_141, %mul3A_140 : i32
          %get3A = arith.index_cast %add3A_137 : i32 to index
          %get3A_143 = arith.index_cast %add3A_142 : i32 to index
          %get3A_144 = tpu.vector_load %arg14[%get3A, %get3A_143] {strides = array<i32>} : memref<64x128xf32, #tpu.memory_space<vmem>>, vector<1x16xf32>,
          %get3A_145 = vector.shape_cast %get3A_144 : vector<1x16xf32> to vector<16xf32>
          %get3A_146 = arith.index_cast %add3A_137 : i32 to index
          %get3A_147 = arith.index_cast %add3A_142 : i32 to index
          %get3A_148 = tpu.vector_load %arg15[%get3A_146, %get3A_147] {strides = array<i32>} : memref<64x128xf32, #tpu.memory_space<vmem>>, vector<1x16xf32>,
          %get3A_149 = vector.shape_cast %get3A_148 : vector<1x16xf32> to vector<16xf32>
          %add3A_150 = arith.addf %get3A_145, %get3A_149 : vector<16xf32>
          %swap3A = arith.index_cast %add3A_137 : i32 to index
          %swap3A_151 = arith.index_cast %add3A_142 : i32 to index
          %swap3A_152 = tpu.vector_load %arg13[%swap3A, %swap3A_151] {strides = array<i32>} : memref<64x128xf32, #tpu.memory_space<vmem>>, vector<1x16xf32>,
          %swap3A_153 = vector.shape_cast %swap3A_152 : vector<1x16xf32> to vector<16xf32>
          %swap3A_154 = vector.shape_cast %add3A_150 : vector<16xf32> to vector<1x16xf32>
          tpu.vector_store %arg13[%swap3A, %swap3A_151], %swap3A_154 {add = true, strides = array<i32>} : memref<64x128xf32, #tpu.memory_space<vmem>>, vector<1x16xf32>,
          %scan3A_155 = arith.constant 1 : i32
          %mul3A_156 = arith.constant 16 : i32
          %mul3A_157 = arith.muli %scan3A_155, %mul3A_156 : i32
          %add3A_158 = arith.constant 0 : i32
          %add3A_159 = arith.addi %add3A_158, %mul3A_157 : i32
          %get3A_160 = arith.index_cast %add3A_137 : i32 to index
          %get3A_161 = arith.index_cast %add3A_159 : i32 to index
          %get3A_162 = tpu.vector_load %arg14[%get3A_160, %get3A_161] {strides = array<i32>} : memref<64x128xf32, #tpu.memory_space<vmem>>, vector<1x16xf32>,
          %get3A_163 = vector.shape_cast %get3A_162 : vector<1x16xf32> to vector<16xf32>
          %get3A_164 = arith.index_cast %add3A_137 : i32 to index
          %get3A_165 = arith.index_cast %add3A_159 : i32 to index
          %get3A_166 = tpu.vector_load %arg15[%get3A_164, %get3A_165] {strides = array<i32>} : memref<64x128xf32, #tpu.memory_space<vmem>>, vector<1x16xf32>,
          %get3A_167 = vector.shape_cast %get3A_166 : vector<1x16xf32> to vector<16xf32>
          %add3A_168 = arith.addf %get3A_163, %get3A_167 : vector<16xf32>
          %swap3A_169 = arith.index_cast %add3A_137 : i32 to index
          %swap3A_170 = arith.index_cast %add3A_159 : i32 to index
          %swap3A_171 = tpu.vector_load %arg13[%swap3A_169, %swap3A_170] {strides = array<i32>} : memref<64x128xf32, #tpu.memory_space<vmem>>, vector<1x16xf32>,
          %swap3A_172 = vector.shape_cast %swap3A_171 : vector<1x16xf32> to vector<16xf32>
          %swap3A_173 = vector.shape_cast %add3A_168 : vector<16xf32> to vector<1x16xf32>
          tpu.vector_store %arg13[%swap3A_169, %swap3A_170], %swap3A_173 {add = true, strides = array<i32>} : memref<64x128xf32, #tpu.memory_space<vmem>>, vector<1x16xf32>,
          %scan3A_174 = arith.constant 2 : i32
          %mul3A_175 = arith.constant 16 : i32
          %mul3A_176 = arith.muli %scan3A_174, %mul3A_175 : i32
          %add3A_177 = arith.constant 0 : i32
          %add3A_178 = arith.addi %add3A_177, %mul3A_176 : i32
          %get3A_179 = arith.index_cast %add3A_137 : i32 to index
          %get3A_180 = arith.index_cast %add3A_178 : i32 to index
          %get3A_181 = tpu.vector_load %arg14[%get3A_179, %get3A_180] {strides = array<i32>} : memref<64x128xf32, #tpu.memory_space<vmem>>, vector<1x16xf32>,
          %get3A_182 = vector.shape_cast %get3A_181 : vector<1x16xf32> to vector<16xf32>
          %get3A_183 = arith.index_cast %add3A_137 : i32 to index
          %get3A_184 = arith.index_cast %add3A_178 : i32 to index
          %get3A_185 = tpu.vector_load %arg15[%get3A_183, %get3A_184] {strides = array<i32>} : memref<64x128xf32, #tpu.memory_space<vmem>>, vector<1x16xf32>,
          %get3A_186 = vector.shape_cast %get3A_185 : vector<1x16xf32> to vector<16xf32>
          %add3A_187 = arith.addf %get3A_182, %get3A_186 : vector<16xf32>
          %swap3A_188 = arith.index_cast %add3A_137 : i32 to index
          %swap3A_189 = arith.index_cast %add3A_178 : i32 to index
          %swap3A_190 = tpu.vector_load %arg13[%swap3A_188, %swap3A_189] {strides = array<i32>} : memref<64x128xf32, #tpu.memory_space<vmem>>, vector<1x16xf32>,
          %swap3A_191 = vector.shape_cast %swap3A_190 : vector<1x16xf32> to vector<16xf32>
          %swap3A_192 = vector.shape_cast %add3A_187 : vector<16xf32> to vector<1x16xf32>
          tpu.vector_store %arg13[%swap3A_188, %swap3A_189], %swap3A_192 {add = true, strides = array<i32>} : memref<64x128xf32, #tpu.memory_space<vmem>>, vector<1x16xf32>,
          %scan3A_193 = arith.constant 3 : i32
          %mul3A_194 = arith.constant 16 : i32
          %mul3A_195 = arith.muli %scan3A_193, %mul3A_194 : i32
          %add3A_196 = arith.constant 0 : i32
          %add3A_197 = arith.addi %add3A_196, %mul3A_195 : i32
          %get3A_198 = arith.index_cast %add3A_137 : i32 to index
          %get3A_199 = arith.index_cast %add3A_197 : i32 to index
          %get3A_200 = tpu.vector_load %arg14[%get3A_198, %get3A_199] {strides = array<i32>} : memref<64x128xf32, #tpu.memory_space<vmem>>, vector<1x16xf32>,
          %get3A_201 = vector.shape_cast %get3A_200 : vector<1x16xf32> to vector<16xf32>
          %get3A_202 = arith.index_cast %add3A_137 : i32 to index
          %get3A_203 = arith.index_cast %add3A_197 : i32 to index
          %get3A_204 = tpu.vector_load %arg15[%get3A_202, %get3A_203] {strides = array<i32>} : memref<64x128xf32, #tpu.memory_space<vmem>>, vector<1x16xf32>,
          %get3A_205 = vector.shape_cast %get3A_204 : vector<1x16xf32> to vector<16xf32>
          %add3A_206 = arith.addf %get3A_201, %get3A_205 : vector<16xf32>
          %swap3A_207 = arith.index_cast %add3A_137 : i32 to index
          %swap3A_208 = arith.index_cast %add3A_197 : i32 to index
          %swap3A_209 = tpu.vector_load %arg13[%swap3A_207, %swap3A_208] {strides = array<i32>} : memref<64x128xf32, #tpu.memory_space<vmem>>, vector<1x16xf32>,
          %swap3A_210 = vector.shape_cast %swap3A_209 : vector<1x16xf32> to vector<16xf32>
          %swap3A_211 = vector.shape_cast %add3A_206 : vector<16xf32> to vector<1x16xf32>
          tpu.vector_store %arg13[%swap3A_207, %swap3A_208], %swap3A_211 {add = true, strides = array<i32>} : memref<64x128xf32, #tpu.memory_space<vmem>>, vector<1x16xf32>,
          %scan3A_212 = arith.constant 4 : i32
          %mul3A_213 = arith.constant 16 : i32
          %mul3A_214 = arith.muli %scan3A_212, %mul3A_213 : i32
          %add3A_215 = arith.constant 0 : i32
          %add3A_216 = arith.addi %add3A_215, %mul3A_214 : i32
          %get3A_217 = arith.index_cast %add3A_137 : i32 to index
          %get3A_218 = arith.index_cast %add3A_216 : i32 to index
          %get3A_219 = tpu.vector_load %arg14[%get3A_217, %get3A_218] {strides = array<i32>} : memref<64x128xf32, #tpu.memory_space<vmem>>, vector<1x16xf32>,
          %get3A_220 = vector.shape_cast %get3A_219 : vector<1x16xf32> to vector<16xf32>
          %get3A_221 = arith.index_cast %add3A_137 : i32 to index
          %get3A_222 = arith.index_cast %add3A_216 : i32 to index
          %get3A_223 = tpu.vector_load %arg15[%get3A_221, %get3A_222] {strides = array<i32>} : memref<64x128xf32, #tpu.memory_space<vmem>>, vector<1x16xf32>,
          %get3A_224 = vector.shape_cast %get3A_223 : vector<1x16xf32> to vector<16xf32>
          %add3A_225 = arith.addf %get3A_220, %get3A_224 : vector<16xf32>
          %swap3A_226 = arith.index_cast %add3A_137 : i32 to index
          %swap3A_227 = arith.index_cast %add3A_216 : i32 to index
          %swap3A_228 = tpu.vector_load %arg13[%swap3A_226, %swap3A_227] {strides = array<i32>} : memref<64x128xf32, #tpu.memory_space<vmem>>, vector<1x16xf32>,
          %swap3A_229 = vector.shape_cast %swap3A_228 : vector<1x16xf32> to vector<16xf32>
          %swap3A_230 = vector.shape_cast %add3A_225 : vector<16xf32> to vector<1x16xf32>
          tpu.vector_store %arg13[%swap3A_226, %swap3A_227], %swap3A_230 {add = true, strides = array<i32>} : memref<64x128xf32, #tpu.memory_space<vmem>>, vector<1x16xf32>,
          %scan3A_231 = arith.constant 5 : i32
          %mul3A_232 = arith.constant 16 : i32
          %mul3A_233 = arith.muli %scan3A_231, %mul3A_232 : i32
          %add3A_234 = arith.constant 0 : i32
          %add3A_235 = arith.addi %add3A_234, %mul3A_233 : i32
          %get3A_236 = arith.index_cast %add3A_137 : i32 to index
          %get3A_237 = arith.index_cast %add3A_235 : i32 to index
          %get3A_238 = tpu.vector_load %arg14[%get3A_236, %get3A_237] {strides = array<i32>} : memref<64x128xf32, #tpu.memory_space<vmem>>, vector<1x16xf32>,
          %get3A_239 = vector.shape_cast %get3A_238 : vector<1x16xf32> to vector<16xf32>
          %get3A_240 = arith.index_cast %add3A_137 : i32 to index
          %get3A_241 = arith.index_cast %add3A_235 : i32 to index
          %get3A_242 = tpu.vector_load %arg15[%get3A_240, %get3A_241] {strides = array<i32>} : memref<64x128xf32, #tpu.memory_space<vmem>>, vector<1x16xf32>,
          %get3A_243 = vector.shape_cast %get3A_242 : vector<1x16xf32> to vector<16xf32>
          %add3A_244 = arith.addf %get3A_239, %get3A_243 : vector<16xf32>
          %swap3A_245 = arith.index_cast %add3A_137 : i32 to index
          %swap3A_246 = arith.index_cast %add3A_235 : i32 to index
          %swap3A_247 = tpu.vector_load %arg13[%swap3A_245, %swap3A_246] {strides = array<i32>} : memref<64x128xf32, #tpu.memory_space<vmem>>, vector<1x16xf32>,
          %swap3A_248 = vector.shape_cast %swap3A_247 : vector<1x16xf32> to vector<16xf32>
          %swap3A_249 = vector.shape_cast %add3A_244 : vector<16xf32> to vector<1x16xf32>
          tpu.vector_store %arg13[%swap3A_245, %swap3A_246], %swap3A_249 {add = true, strides = array<i32>} : memref<64x128xf32, #tpu.memory_space<vmem>>, vector<1x16xf32>,
          %scan3A_250 = arith.constant 6 : i32
          %mul3A_251 = arith.constant 16 : i32
          %mul3A_252 = arith.muli %scan3A_250, %mul3A_251 : i32
          %add3A_253 = arith.constant 0 : i32
          %add3A_254 = arith.addi %add3A_253, %mul3A_252 : i32
          %get3A_255 = arith.index_cast %add3A_137 : i32 to index
          %get3A_256 = arith.index_cast %add3A_254 : i32 to index
          %get3A_257 = tpu.vector_load %arg14[%get3A_255, %get3A_256] {strides = array<i32>} : memref<64x128xf32, #tpu.memory_space<vmem>>, vector<1x16xf32>,
          %get3A_258 = vector.shape_cast %get3A_257 : vector<1x16xf32> to vector<16xf32>
          %get3A_259 = arith.index_cast %add3A_137 : i32 to index
          %get3A_260 = arith.index_cast %add3A_254 : i32 to index
          %get3A_261 = tpu.vector_load %arg15[%get3A_259, %get3A_260] {strides = array<i32>} : memref<64x128xf32, #tpu.memory_space<vmem>>, vector<1x16xf32>,
          %get3A_262 = vector.shape_cast %get3A_261 : vector<1x16xf32> to vector<16xf32>
          %add3A_263 = arith.addf %get3A_258, %get3A_262 : vector<16xf32>
          %swap3A_264 = arith.index_cast %add3A_137 : i32 to index
          %swap3A_265 = arith.index_cast %add3A_254 : i32 to index
          %swap3A_266 = tpu.vector_load %arg13[%swap3A_264, %swap3A_265] {strides = array<i32>} : memref<64x128xf32, #tpu.memory_space<vmem>>, vector<1x16xf32>,
          %swap3A_267 = vector.shape_cast %swap3A_266 : vector<1x16xf32> to vector<16xf32>
          %swap3A_268 = vector.shape_cast %add3A_263 : vector<16xf32> to vector<1x16xf32>
          tpu.vector_store %arg13[%swap3A_264, %swap3A_265], %swap3A_268 {add = true, strides = array<i32>} : memref<64x128xf32, #tpu.memory_space<vmem>>, vector<1x16xf32>,
          %scan3A_269 = arith.constant 7 : i32
          %mul3A_270 = arith.constant 16 : i32
          %mul3A_271 = arith.muli %scan3A_269, %mul3A_270 : i32
          %add3A_272 = arith.constant 0 : i32
          %add3A_273 = arith.addi %add3A_272, %mul3A_271 : i32
          %get3A_274 = arith.index_cast %add3A_137 : i32 to index
          %get3A_275 = arith.index_cast %add3A_273 : i32 to index
          %get3A_276 = tpu.vector_load %arg14[%get3A_274, %get3A_275] {strides = array<i32>} : memref<64x128xf32, #tpu.memory_space<vmem>>, vector<1x16xf32>,
          %get3A_277 = vector.shape_cast %get3A_276 : vector<1x16xf32> to vector<16xf32>
          %get3A_278 = arith.index_cast %add3A_137 : i32 to index
          %get3A_279 = arith.index_cast %add3A_273 : i32 to index
          %get3A_280 = tpu.vector_load %arg15[%get3A_278, %get3A_279] {strides = array<i32>} : memref<64x128xf32, #tpu.memory_space<vmem>>, vector<1x16xf32>,
          %get3A_281 = vector.shape_cast %get3A_280 : vector<1x16xf32> to vector<16xf32>
          %add3A_282 = arith.addf %get3A_277, %get3A_281 : vector<16xf32>
          %swap3A_283 = arith.index_cast %add3A_137 : i32 to index
          %swap3A_284 = arith.index_cast %add3A_273 : i32 to index
          %swap3A_285 = tpu.vector_load %arg13[%swap3A_283, %swap3A_284] {strides = array<i32>} : memref<64x128xf32, #tpu.memory_space<vmem>>, vector<1x16xf32>,
          %swap3A_286 = vector.shape_cast %swap3A_285 : vector<1x16xf32> to vector<16xf32>
          %swap3A_287 = vector.shape_cast %add3A_282 : vector<16xf32> to vector<1x16xf32>
          tpu.vector_store %arg13[%swap3A_283, %swap3A_284], %swap3A_287 {add = true, strides = array<i32>} : memref<64x128xf32, #tpu.memory_space<vmem>>, vector<1x16xf32>,
          %scan3A_288 = arith.constant 8 : i32
          %scan3A_289 = arith.constant 1 : i32
          %scan3A_290 = arith.addi %scan3A_133, %scan3A_289 : i32
          %mul3A_291 = arith.constant 1 : i32
          %mul3A_292 = arith.muli %scan3A_290, %mul3A_291 : i32
          %add3A_293 = arith.constant 0 : i32
          %add3A_294 = arith.addi %add3A_293, %mul3A_292 : i32
          %scan3A_295 = arith.constant 0 : i32
          %mul3A_296 = arith.constant 16 : i32
          %mul3A_297 = arith.muli %scan3A_295, %mul3A_296 : i32
          %add3A_298 = arith.constant 0 : i32
          %add3A_299 = arith.addi %add3A_298, %mul3A_297 : i32
          %get3A_300 = arith.index_cast %add3A_294 : i32 to index
          %get3A_301 = arith.index_cast %add3A_299 : i32 to index
          %get3A_302 = tpu.vector_load %arg14[%get3A_300, %get3A_301] {strides = array<i32>} : memref<64x128xf32, #tpu.memory_space<vmem>>, vector<1x16xf32>,
          %get3A_303 = vector.shape_cast %get3A_302 : vector<1x16xf32> to vector<16xf32>
          %get3A_304 = arith.index_cast %add3A_294 : i32 to index
          %get3A_305 = arith.index_cast %add3A_299 : i32 to index
          %get3A_306 = tpu.vector_load %arg15[%get3A_304, %get3A_305] {strides = array<i32>} : memref<64x128xf32, #tpu.memory_space<vmem>>, vector<1x16xf32>,
          %get3A_307 = vector.shape_cast %get3A_306 : vector<1x16xf32> to vector<16xf32>
          %add3A_308 = arith.addf %get3A_303, %get3A_307 : vector<16xf32>
          %swap3A_309 = arith.index_cast %add3A_294 : i32 to index
          %swap3A_310 = arith.index_cast %add3A_299 : i32 to index
          %swap3A_311 = tpu.vector_load %arg13[%swap3A_309, %swap3A_310] {strides = array<i32>} : memref<64x128xf32, #tpu.memory_space<vmem>>, vector<1x16xf32>,
          %swap3A_312 = vector.shape_cast %swap3A_311 : vector<1x16xf32> to vector<16xf32>
          %swap3A_313 = vector.shape_cast %add3A_308 : vector<16xf32> to vector<1x16xf32>
          tpu.vector_store %arg13[%swap3A_309, %swap3A_310], %swap3A_313 {add = true, strides = array<i32>} : memref<64x128xf32, #tpu.memory_space<vmem>>, vector<1x16xf32>,
          %scan3A_314 = arith.constant 1 : i32
          %mul3A_315 = arith.constant 16 : i32
          %mul3A_316 = arith.muli %scan3A_314, %mul3A_315 : i32
          %add3A_317 = arith.constant 0 : i32
          %add3A_318 = arith.addi %add3A_317, %mul3A_316 : i32
          %get3A_319 = arith.index_cast %add3A_294 : i32 to index
          %get3A_320 = arith.index_cast %add3A_318 : i32 to index
          %get3A_321 = tpu.vector_load %arg14[%get3A_319, %get3A_320] {strides = array<i32>} : memref<64x128xf32, #tpu.memory_space<vmem>>, vector<1x16xf32>,
          %get3A_322 = vector.shape_cast %get3A_321 : vector<1x16xf32> to vector<16xf32>
          %get3A_323 = arith.index_cast %add3A_294 : i32 to index
          %get3A_324 = arith.index_cast %add3A_318 : i32 to index
          %get3A_325 = tpu.vector_load %arg15[%get3A_323, %get3A_324] {strides = array<i32>} : memref<64x128xf32, #tpu.memory_space<vmem>>, vector<1x16xf32>,
          %get3A_326 = vector.shape_cast %get3A_325 : vector<1x16xf32> to vector<16xf32>
          %add3A_327 = arith.addf %get3A_322, %get3A_326 : vector<16xf32>
          %swap3A_328 = arith.index_cast %add3A_294 : i32 to index
          %swap3A_329 = arith.index_cast %add3A_318 : i32 to index
          %swap3A_330 = tpu.vector_load %arg13[%swap3A_328, %swap3A_329] {strides = array<i32>} : memref<64x128xf32, #tpu.memory_space<vmem>>, vector<1x16xf32>,
          %swap3A_331 = vector.shape_cast %swap3A_330 : vector<1x16xf32> to vector<16xf32>
          %swap3A_332 = vector.shape_cast %add3A_327 : vector<16xf32> to vector<1x16xf32>
          tpu.vector_store %arg13[%swap3A_328, %swap3A_329], %swap3A_332 {add = true, strides = array<i32>} : memref<64x128xf32, #tpu.memory_space<vmem>>, vector<1x16xf32>,
          %scan3A_333 = arith.constant 2 : i32
          %mul3A_334 = arith.constant 16 : i32
          %mul3A_335 = arith.muli %scan3A_333, %mul3A_334 : i32
          %add3A_336 = arith.constant 0 : i32
          %add3A_337 = arith.addi %add3A_336, %mul3A_335 : i32
          %get3A_338 = arith.index_cast %add3A_294 : i32 to index
          %get3A_339 = arith.index_cast %add3A_337 : i32 to index
          %get3A_340 = tpu.vector_load %arg14[%get3A_338, %get3A_339] {strides = array<i32>} : memref<64x128xf32, #tpu.memory_space<vmem>>, vector<1x16xf32>,
          %get3A_341 = vector.shape_cast %get3A_340 : vector<1x16xf32> to vector<16xf32>
          %get3A_342 = arith.index_cast %add3A_294 : i32 to index
          %get3A_343 = arith.index_cast %add3A_337 : i32 to index
          %get3A_344 = tpu.vector_load %arg15[%get3A_342, %get3A_343] {strides = array<i32>} : memref<64x128xf32, #tpu.memory_space<vmem>>, vector<1x16xf32>,
          %get3A_345 = vector.shape_cast %get3A_344 : vector<1x16xf32> to vector<16xf32>
          %add3A_346 = arith.addf %get3A_341, %get3A_345 : vector<16xf32>
          %swap3A_347 = arith.index_cast %add3A_294 : i32 to index
          %swap3A_348 = arith.index_cast %add3A_337 : i32 to index
          %swap3A_349 = tpu.vector_load %arg13[%swap3A_347, %swap3A_348] {strides = array<i32>} : memref<64x128xf32, #tpu.memory_space<vmem>>, vector<1x16xf32>,
          %swap3A_350 = vector.shape_cast %swap3A_349 : vector<1x16xf32> to vector<16xf32>
          %swap3A_351 = vector.shape_cast %add3A_346 : vector<16xf32> to vector<1x16xf32>
          tpu.vector_store %arg13[%swap3A_347, %swap3A_348], %swap3A_351 {add = true, strides = array<i32>} : memref<64x128xf32, #tpu.memory_space<vmem>>, vector<1x16xf32>,
          %scan3A_352 = arith.constant 3 : i32
          %mul3A_353 = arith.constant 16 : i32
          %mul3A_354 = arith.muli %scan3A_352, %mul3A_353 : i32
          %add3A_355 = arith.constant 0 : i32
          %add3A_356 = arith.addi %add3A_355, %mul3A_354 : i32
          %get3A_357 = arith.index_cast %add3A_294 : i32 to index
          %get3A_358 = arith.index_cast %add3A_356 : i32 to index
          %get3A_359 = tpu.vector_load %arg14[%get3A_357, %get3A_358] {strides = array<i32>} : memref<64x128xf32, #tpu.memory_space<vmem>>, vector<1x16xf32>,
          %get3A_360 = vector.shape_cast %get3A_359 : vector<1x16xf32> to vector<16xf32>
          %get3A_361 = arith.index_cast %add3A_294 : i32 to index
          %get3A_362 = arith.index_cast %add3A_356 : i32 to index
          %get3A_363 = tpu.vector_load %arg15[%get3A_361, %get3A_362] {strides = array<i32>} : memref<64x128xf32, #tpu.memory_space<vmem>>, vector<1x16xf32>,
          %get3A_364 = vector.shape_cast %get3A_363 : vector<1x16xf32> to vector<16xf32>
          %add3A_365 = arith.addf %get3A_360, %get3A_364 : vector<16xf32>
          %swap3A_366 = arith.index_cast %add3A_294 : i32 to index
          %swap3A_367 = arith.index_cast %add3A_356 : i32 to index
          %swap3A_368 = tpu.vector_load %arg13[%swap3A_366, %swap3A_367] {strides = array<i32>} : memref<64x128xf32, #tpu.memory_space<vmem>>, vector<1x16xf32>,
          %swap3A_369 = vector.shape_cast %swap3A_368 : vector<1x16xf32> to vector<16xf32>
          %swap3A_370 = vector.shape_cast %add3A_365 : vector<16xf32> to vector<1x16xf32>
          tpu.vector_store %arg13[%swap3A_366, %swap3A_367], %swap3A_370 {add = true, strides = array<i32>} : memref<64x128xf32, #tpu.memory_space<vmem>>, vector<1x16xf32>,
          %scan3A_371 = arith.constant 4 : i32
          %mul3A_372 = arith.constant 16 : i32
          %mul3A_373 = arith.muli %scan3A_371, %mul3A_372 : i32
          %add3A_374 = arith.constant 0 : i32
          %add3A_375 = arith.addi %add3A_374, %mul3A_373 : i32
          %get3A_376 = arith.index_cast %add3A_294 : i32 to index
          %get3A_377 = arith.index_cast %add3A_375 : i32 to index
          %get3A_378 = tpu.vector_load %arg14[%get3A_376, %get3A_377] {strides = array<i32>} : memref<64x128xf32, #tpu.memory_space<vmem>>, vector<1x16xf32>,
          %get3A_379 = vector.shape_cast %get3A_378 : vector<1x16xf32> to vector<16xf32>
          %get3A_380 = arith.index_cast %add3A_294 : i32 to index
          %get3A_381 = arith.index_cast %add3A_375 : i32 to index
          %get3A_382 = tpu.vector_load %arg15[%get3A_380, %get3A_381] {strides = array<i32>} : memref<64x128xf32, #tpu.memory_space<vmem>>, vector<1x16xf32>,
          %get3A_383 = vector.shape_cast %get3A_382 : vector<1x16xf32> to vector<16xf32>
          %add3A_384 = arith.addf %get3A_379, %get3A_383 : vector<16xf32>
          %swap3A_385 = arith.index_cast %add3A_294 : i32 to index
          %swap3A_386 = arith.index_cast %add3A_375 : i32 to index
          %swap3A_387 = tpu.vector_load %arg13[%swap3A_385, %swap3A_386] {strides = array<i32>} : memref<64x128xf32, #tpu.memory_space<vmem>>, vector<1x16xf32>,
          %swap3A_388 = vector.shape_cast %swap3A_387 : vector<1x16xf32> to vector<16xf32>
          %swap3A_389 = vector.shape_cast %add3A_384 : vector<16xf32> to vector<1x16xf32>
          tpu.vector_store %arg13[%swap3A_385, %swap3A_386], %swap3A_389 {add = true, strides = array<i32>} : memref<64x128xf32, #tpu.memory_space<vmem>>, vector<1x16xf32>,
          %scan3A_390 = arith.constant 5 : i32
          %mul3A_391 = arith.constant 16 : i32
          %mul3A_392 = arith.muli %scan3A_390, %mul3A_391 : i32
          %add3A_393 = arith.constant 0 : i32
          %add3A_394 = arith.addi %add3A_393, %mul3A_392 : i32
          %get3A_395 = arith.index_cast %add3A_294 : i32 to index
          %get3A_396 = arith.index_cast %add3A_394 : i32 to index
          %get3A_397 = tpu.vector_load %arg14[%get3A_395, %get3A_396] {strides = array<i32>} : memref<64x128xf32, #tpu.memory_space<vmem>>, vector<1x16xf32>,
          %get3A_398 = vector.shape_cast %get3A_397 : vector<1x16xf32> to vector<16xf32>
          %get3A_399 = arith.index_cast %add3A_294 : i32 to index
          %get3A_400 = arith.index_cast %add3A_394 : i32 to index
          %get3A_401 = tpu.vector_load %arg15[%get3A_399, %get3A_400] {strides = array<i32>} : memref<64x128xf32, #tpu.memory_space<vmem>>, vector<1x16xf32>,
          %get3A_402 = vector.shape_cast %get3A_401 : vector<1x16xf32> to vector<16xf32>
          %add3A_403 = arith.addf %get3A_398, %get3A_402 : vector<16xf32>
          %swap3A_404 = arith.index_cast %add3A_294 : i32 to index
          %swap3A_405 = arith.index_cast %add3A_394 : i32 to index
          %swap3A_406 = tpu.vector_load %arg13[%swap3A_404, %swap3A_405] {strides = array<i32>} : memref<64x128xf32, #tpu.memory_space<vmem>>, vector<1x16xf32>,
          %swap3A_407 = vector.shape_cast %swap3A_406 : vector<1x16xf32> to vector<16xf32>
          %swap3A_408 = vector.shape_cast %add3A_403 : vector<16xf32> to vector<1x16xf32>
          tpu.vector_store %arg13[%swap3A_404, %swap3A_405], %swap3A_408 {add = true, strides = array<i32>} : memref<64x128xf32, #tpu.memory_space<vmem>>, vector<1x16xf32>,
          %scan3A_409 = arith.constant 6 : i32
          %mul3A_410 = arith.constant 16 : i32
          %mul3A_411 = arith.muli %scan3A_409, %mul3A_410 : i32
          %add3A_412 = arith.constant 0 : i32
          %add3A_413 = arith.addi %add3A_412, %mul3A_411 : i32
          %get3A_414 = arith.index_cast %add3A_294 : i32 to index
          %get3A_415 = arith.index_cast %add3A_413 : i32 to index
          %get3A_416 = tpu.vector_load %arg14[%get3A_414, %get3A_415] {strides = array<i32>} : memref<64x128xf32, #tpu.memory_space<vmem>>, vector<1x16xf32>,
          %get3A_417 = vector.shape_cast %get3A_416 : vector<1x16xf32> to vector<16xf32>
          %get3A_418 = arith.index_cast %add3A_294 : i32 to index
          %get3A_419 = arith.index_cast %add3A_413 : i32 to index
          %get3A_420 = tpu.vector_load %arg15[%get3A_418, %get3A_419] {strides = array<i32>} : memref<64x128xf32, #tpu.memory_space<vmem>>, vector<1x16xf32>,
          %get3A_421 = vector.shape_cast %get3A_420 : vector<1x16xf32> to vector<16xf32>
          %add3A_422 = arith.addf %get3A_417, %get3A_421 : vector<16xf32>
          %swap3A_423 = arith.index_cast %add3A_294 : i32 to index
          %swap3A_424 = arith.index_cast %add3A_413 : i32 to index
          %swap3A_425 = tpu.vector_load %arg13[%swap3A_423, %swap3A_424] {strides = array<i32>} : memref<64x128xf32, #tpu.memory_space<vmem>>, vector<1x16xf32>,
          %swap3A_426 = vector.shape_cast %swap3A_425 : vector<1x16xf32> to vector<16xf32>
          %swap3A_427 = vector.shape_cast %add3A_422 : vector<16xf32> to vector<1x16xf32>
          tpu.vector_store %arg13[%swap3A_423, %swap3A_424], %swap3A_427 {add = true, strides = array<i32>} : memref<64x128xf32, #tpu.memory_space<vmem>>, vector<1x16xf32>,
          %scan3A_428 = arith.constant 7 : i32
          %mul3A_429 = arith.constant 16 : i32
          %mul3A_430 = arith.muli %scan3A_428, %mul3A_429 : i32
          %add3A_431 = arith.constant 0 : i32
          %add3A_432 = arith.addi %add3A_431, %mul3A_430 : i32
          %get3A_433 = arith.index_cast %add3A_294 : i32 to index
          %get3A_434 = arith.index_cast %add3A_432 : i32 to index
          %get3A_435 = tpu.vector_load %arg14[%get3A_433, %get3A_434] {strides = array<i32>} : memref<64x128xf32, #tpu.memory_space<vmem>>, vector<1x16xf32>,
          %get3A_436 = vector.shape_cast %get3A_435 : vector<1x16xf32> to vector<16xf32>
          %get3A_437 = arith.index_cast %add3A_294 : i32 to index
          %get3A_438 = arith.index_cast %add3A_432 : i32 to index
          %get3A_439 = tpu.vector_load %arg15[%get3A_437, %get3A_438] {strides = array<i32>} : memref<64x128xf32, #tpu.memory_space<vmem>>, vector<1x16xf32>,
          %get3A_440 = vector.shape_cast %get3A_439 : vector<1x16xf32> to vector<16xf32>
          %add3A_441 = arith.addf %get3A_436, %get3A_440 : vector<16xf32>
          %swap3A_442 = arith.index_cast %add3A_294 : i32 to index
          %swap3A_443 = arith.index_cast %add3A_432 : i32 to index
          %swap3A_444 = tpu.vector_load %arg13[%swap3A_442, %swap3A_443] {strides = array<i32>} : memref<64x128xf32, #tpu.memory_space<vmem>>, vector<1x16xf32>,
          %swap3A_445 = vector.shape_cast %swap3A_444 : vector<1x16xf32> to vector<16xf32>
          %swap3A_446 = vector.shape_cast %add3A_441 : vector<16xf32> to vector<1x16xf32>
          tpu.vector_store %arg13[%swap3A_442, %swap3A_443], %swap3A_446 {add = true, strides = array<i32>} : memref<64x128xf32, #tpu.memory_space<vmem>>, vector<1x16xf32>,
          %scan3A_447 = arith.constant 8 : i32
        }
        %scan3A_125 = arith.constant 64 : i32
        %mul3A_126 = arith.constant 64 : i32
        %mul3A_127 = arith.muli %add3A_89, %mul3A_126 : i32
        %add3A_128 = arith.addi %mul3A_2, %mul3A_127 : i32
        %dma_start3A_129 = arith.constant 0 : i32
        %dma_start3A_130 = tpu.memref_slice %arg6[%add3A_128, %dma_start3A_129] : memref<200000x128xf32, #tpu.memory_space<hbm>> -> memref<64x128xf32, #tpu.memory_space<hbm>>
        %dma_start3A_131 = arith.constant 0 : i32
        %dma_start3A_132 = tpu.memref_slice %arg6[%add3A_128, %dma_start3A_131] : memref<200000x128xf32, #tpu.memory_space<hbm>> -> memref<64x128xf32, #tpu.memory_space<hbm>>
        tpu.enqueue_dma source(%arg13 : memref<64x128xf32, #tpu.memory_space<vmem>>) target(%dma_start3A_132 : memref<64x128xf32, #tpu.memory_space<hbm>>) target_semaphore(%arg19 : memref<!tpu.dma_semaphore, #tpu.memory_space<semaphore_mem>>)
      } else {
      }
    }
    %scan3A_22 = arith.constant 49 : i32
    %sub3A = arith.constant 2 : i32
    %sub3A_23 = arith.subi %select_n3A, %sub3A : i32
    %jit3A_24 = arith.constant 2 : i32
    %eq3A_25 = arith.constant 0 : i32
    %eq3A_26 = arith.cmpi eq, %jit3A_24, %eq3A_25 : i32
    %jit3A_27 = arith.constant 1 : i32
    %select_n3A_28 = arith.select %eq3A_26, %jit3A_27, %jit3A_24 : i32
    %rem3A = arith.remsi %select_n3A, %select_n3A_28 : i32
    %ne3A = arith.constant 0 : i32
    %ne3A_29 = arith.cmpi ne, %rem3A, %ne3A : i32
    %lt3A = arith.constant 0 : i32
    %lt3A_30 = arith.cmpi slt, %rem3A, %lt3A : i32
    %lt3A_31 = arith.constant 0 : i32
    %lt3A_32 = arith.cmpi slt, %select_n3A_28, %lt3A_31 : i32
    %ne3A_33 = arith.xori %lt3A_30, %lt3A_32 : i1
    %and3A = arith.andi %ne3A_33, %ne3A_29 : i1
    %add3A_34 = arith.addi %rem3A, %select_n3A_28 : i32
    %select_n3A_35 = arith.select %and3A, %add3A_34, %rem3A : i32
    %add3A_36 = arith.addi %sub3A_23, %select_n3A_35 : i32
    %sub3A_37 = arith.constant 1 : i32
    %sub3A_38 = arith.subi %select_n3A, %sub3A_37 : i32
    %jit3A_39 = arith.constant 2 : i32
    %eq3A_40 = arith.constant 0 : i32
    %eq3A_41 = arith.cmpi eq, %jit3A_39, %eq3A_40 : i32
    %jit3A_42 = arith.constant 1 : i32
    %select_n3A_43 = arith.select %eq3A_41, %jit3A_42, %jit3A_39 : i32
    %rem3A_44 = arith.remsi %select_n3A, %select_n3A_43 : i32
    %ne3A_45 = arith.constant 0 : i32
    %ne3A_46 = arith.cmpi ne, %rem3A_44, %ne3A_45 : i32
    %lt3A_47 = arith.constant 0 : i32
    %lt3A_48 = arith.cmpi slt, %rem3A_44, %lt3A_47 : i32
    %lt3A_49 = arith.constant 0 : i32
    %lt3A_50 = arith.cmpi slt, %select_n3A_43, %lt3A_49 : i32
    %ne3A_51 = arith.xori %lt3A_48, %lt3A_50 : i1
    %and3A_52 = arith.andi %ne3A_51, %ne3A_46 : i1
    %add3A_53 = arith.addi %rem3A_44, %select_n3A_43 : i32
    %select_n3A_54 = arith.select %and3A_52, %add3A_53, %rem3A_44 : i32
    %sub3A_55 = arith.subi %sub3A_38, %select_n3A_54 : i32
    %mul3A_56 = arith.constant 64 : i32
    %mul3A_57 = arith.muli %add3A_36, %mul3A_56 : i32
    %add3A_58 = arith.addi %mul3A_2, %mul3A_57 : i32
    %dma_wait3A = arith.constant 0 : i32
    %dma_wait3A_59 = tpu.memref_slice %arg6[%add3A_58, %dma_wait3A] : memref<200000x128xf32, #tpu.memory_space<hbm>> -> memref<64x128xf32, #tpu.memory_space<hbm>>
    %dma_wait3A_60 = arith.constant 0 : i32
    %dma_wait3A_61 = tpu.memref_slice %arg6[%add3A_58, %dma_wait3A_60] : memref<200000x128xf32, #tpu.memory_space<hbm>> -> memref<64x128xf32, #tpu.memory_space<hbm>>
    tpu.wait_dma2 semaphore(%arg18 : memref<!tpu.dma_semaphore, #tpu.memory_space<semaphore_mem>>) src(%arg10 : memref<64x128xf32, #tpu.memory_space<vmem>>) dst(%dma_wait3A_61 : memref<64x128xf32, #tpu.memory_space<hbm>>)
    %mul3A_62 = arith.constant 64 : i32
    %mul3A_63 = arith.muli %sub3A_55, %mul3A_62 : i32
    %add3A_64 = arith.addi %mul3A_2, %mul3A_63 : i32
    %dma_wait3A_65 = arith.constant 0 : i32
    %dma_wait3A_66 = tpu.memref_slice %arg6[%add3A_64, %dma_wait3A_65] : memref<200000x128xf32, #tpu.memory_space<hbm>> -> memref<64x128xf32, #tpu.memory_space<hbm>>
    %dma_wait3A_67 = arith.constant 0 : i32
    %dma_wait3A_68 = tpu.memref_slice %arg6[%add3A_64, %dma_wait3A_67] : memref<200000x128xf32, #tpu.memory_space<hbm>> -> memref<64x128xf32, #tpu.memory_space<hbm>>
    tpu.wait_dma2 semaphore(%arg19 : memref<!tpu.dma_semaphore, #tpu.memory_space<semaphore_mem>>) src(%arg13 : memref<64x128xf32, #tpu.memory_space<vmem>>) dst(%dma_wait3A_68 : memref<64x128xf32, #tpu.memory_space<hbm>>)
    return
  }
}

</mosaic_0001>

<sc_bundles>
// kernel: kernel.3.cloned.1.call-start
scs
__scs_entry_jumppad:
0x0: {  	(pc) =	sbr.rel $0x88, $3  }
0x1: {  	(tag) =	ssettag $0x0;
	lr =	simm.s32 $0x1  }
0x2: {  	[smem:$0x3F9F] =	sst lr;
	_ =	strace $0xD0000000  }
0x3: {  	_ = 	snop  }
0x4: {  	_ = 	snop  }
0x5: {  	_ = 	snop  }
0x6: {  	_ = 	snop  }
0x7: {  	_ = 	snop  }
__scs_overlays_trampoline_lowered:
0x8: {  	[smem:$0x3FAE] =	sst s0  }
0x9: {  	[smem:$0x3FAF] =	sst s1  }
0xa: {  	[smem:$0x3FB0] =	sst s2  }
0xb: {  	[smem:$0x3FB1] =	sst s3  }
0xc: {  	[smem:$0x3FB2] =	sst s4  }
0xd: {  	[smem:$0x3FB3] =	sst s5  }
0xe: {  	[smem:$0x3FB4] =	sst s6  }
0xf: {  	[smem:$0x3FB5] =	sst s7  }
0x10: {  	[smem:$0x3FB6] =	sst s8  }
0x11: {  	[smem:$0x3FB7] =	sst s9;
	s0 =	simm.s32 @!p0 $0x0  }
0x12: {  	s1 =	sld [smem:$0x3F9D];
	s0 =	simm.s32 @p0 $0x1  }
0x13: {  	[smem:$0x3FB8] =	sst s0;
	s0 =	simm.s32 @!p1 $0x0  }
0x14: {  	s2 =	sld [smem:$0x3F9C];
	s0 =	simm.s32 @p1 $0x1  }
0x15: {  	[smem:$0x3FB9] =	sst s0;
	s0 =	simm.s32 @!p2 $0x0  }
0x16: {  	s3 =	sld [smem:$0x3FDB];
	s0 =	simm.s32 @p2 $0x1  }
0x17: {  	s4 =	simm.s32 $0x1BF5;
	[smem:$0x3FBB] =	sst s0  }
0x18: {  	s0 =	sld [smem:$0x3F9E];
	_ =	swait.ge [sflag:s4], $0x0  }
0x19: {  	s7 =	sld [smem:$0x3F9F]  }
0x1a: {  	s8 =	sadd.s32 $0xFFFFE003, lr  }
0x1b: {  	s9 =	sadd.s32 $0xFFFFFEF7, lr;
	s5 =	simm.s32 $0xFFFFFFFF;
	p2 =	slt.u32 s8, $0xFFFFF086  }
0x1c: {  	p1 =	slt.u32 s9, $0xF7A;
	s5 =	simm.s32 @!p2 $0x0  }
0x1d: {  	s5 =	simm.s32 @p1 $0x1;
	p0 =	seq.s32 s7, s2  }
0x1e: {  	s7 =	smul.u32 @!p0 $0xF7A, s2;
	p2 =	seq.s32 @!p0 s5, $0x0  }
0x1f: {  	s9 =	smul.u32 $0xF7A, s1;
	s8 =	simm.s32 @!p0 $0x1BF5;
	p2 =	por !p2, p0  }
0x20: {  	[sflag:s8] =	ssyncset.s32 @!p0 $0xFFFFF086;
	s6 =	sadd.s32 @!p0 s3, s7;
	s7 =	simm.s32 @!p0 $0x108  }
0x21: {  	s3 =	sadd.s32 s3, s9;
	s6 =	sadd.s32 @!p0 $0x88, s6;
	s7 =	simm.s32 @p2 $0x1082  }
0x22: {  	[simem:s7], [sflag:s8] =	dma.local @!p0 [hbm:s6], $0xF7A  }
0x23: {  	s9 =	sor.u32 $0xD0000000, s2;
	s6 =	simm.s32 $0x108;
	_ =	swait.ge @!p0 [sflag:s8], $0x0  }
0x24: {  	s3 =	sadd.s32 $0x88, s3;
	s6 =	simm.s32 @!p1 $0x1082;
	[sflag:s4] =	ssyncset.s32 $0xFFFFF086  }
0x25: {  	[simem:s6], [sflag:s4] =	dma.local [hbm:s3], $0xF7A  }
0x26: {  	[smem:$0x3F9F] =	sst s1;
	(tag) =	ssettag s2;
	_ =	strace s9  }
0x27: {  	s1 =	sld [smem:$0x3FAF]  }
0x28: {  	s2 =	sld [smem:$0x3FB0]  }
0x29: {  	s4 =	sld [smem:$0x3FB2]  }
0x2a: {  	p0 =	seq.s32 s5, $0x0;
	s5 =	sld [smem:$0x3FB3]  }
0x2b: {  	s6 =	sld [smem:$0x3FB4]  }
0x2c: {  	s7 =	sld [smem:$0x3FB5]  }
0x2d: {  	s3 =	simm.s32 $0x108;
	s8 =	sld [smem:$0x3FB6]  }
0x2e: {  	s3 =	simm.s32 @!p0 $0x1082;
	s9 =	sld [smem:$0x3FB7]  }
0x2f: {  	lr =	sadd.s32 s0, s3;
	s0 =	sld [smem:$0x3FAE]  }
0x30: {  	s3 =	sld [smem:$0x3FB1]  }
0x31: {  	[smem:$0x3FBA] =	sst s10  }
0x32: {  	s10 =	sld [smem:$0x3FB8];
	_ =	sdelay $0x3  }
0x33: {  	p0 =	seq.s32 s10, $0x1;
	s10 =	sld [smem:$0x3FBA];
	_ =	sdelay $0x3  }
0x34: {  	[smem:$0x3FBA] =	sst s10  }
0x35: {  	s10 =	sld [smem:$0x3FB9];
	_ =	sdelay $0x3  }
0x36: {  	p1 =	seq.s32 s10, $0x1;
	s10 =	sld [smem:$0x3FBA];
	_ =	sdelay $0x3  }
0x37: {  	[smem:$0x3FBA] =	sst s10  }
0x38: {  	s10 =	sld [smem:$0x3FBB]  }
0x39: {  	_ = 	snop;
	(pc) =	sbr.ind lr, $3  }
0x3a: {  	_ = 	snop  }
0x3b: {  	_ = 	snop  }
0x3c: {  	p2 =	seq.s32 s10, $0x1;
	s10 =	sld [smem:$0x3FBA]  }
0x3d: {  	_ =	shalt  }
0x3e: {  	_ =	shalt  }
0x3f: {  	_ =	shalt  }
0x40: {  	_ =	shalt  }
0x41: {  	_ =	shalt  }
0x42: {  	_ =	shalt  }
0x43: {  	_ =	shalt  }
0x44: {  	_ =	shalt  }
0x45: {  	_ =	shalt  }
0x46: {  	_ =	shalt  }
0x47: {  	_ =	shalt  }
0x48: {  	_ =	shalt  }
0x49: {  	_ =	shalt  }
0x4a: {  	_ =	shalt  }
0x4b: {  	_ =	shalt  }
0x4c: {  	_ =	shalt  }
0x4d: {  	_ =	shalt  }
0x4e: {  	_ =	shalt  }
0x4f: {  	_ =	shalt  }
0x50: {  	_ =	shalt  }
0x51: {  	_ =	shalt  }
0x52: {  	_ =	shalt  }
0x53: {  	_ =	shalt  }
0x54: {  	_ =	shalt  }
0x55: {  	_ =	shalt  }
0x56: {  	_ =	shalt  }
0x57: {  	_ =	shalt  }
0x58: {  	_ =	shalt  }
0x59: {  	_ =	shalt  }
0x5a: {  	_ =	shalt  }
0x5b: {  	_ =	shalt  }
0x5c: {  	_ =	shalt  }
0x5d: {  	_ =	shalt  }
0x5e: {  	_ =	shalt  }
0x5f: {  	_ =	shalt  }
0x60: {  	_ =	shalt  }
0x61: {  	_ =	shalt  }
0x62: {  	_ =	shalt  }
0x63: {  	_ =	shalt  }
0x64: {  	_ =	shalt  }
0x65: {  	_ =	shalt  }
0x66: {  	_ =	shalt  }
0x67: {  	_ =	shalt  }
0x68: {  	_ =	shalt  }
0x69: {  	_ =	shalt  }
0x6a: {  	_ =	shalt  }
0x6b: {  	_ =	shalt  }
0x6c: {  	_ =	shalt  }
0x6d: {  	_ =	shalt  }
0x6e: {  	_ =	shalt  }
0x6f: {  	_ =	shalt  }
0x70: {  	_ =	shalt  }
0x71: {  	_ =	shalt  }
0x72: {  	_ =	shalt  }
0x73: {  	_ =	shalt  }
0x74: {  	_ =	shalt  }
0x75: {  	_ =	shalt  }
0x76: {  	_ =	shalt  }
0x77: {  	_ =	shalt  }
0x78: {  	_ =	shalt  }
0x79: {  	_ =	shalt  }
0x7a: {  	_ =	shalt  }
0x7b: {  	_ =	shalt  }
0x7c: {  	_ =	shalt  }
0x7d: {  	_ =	shalt  }
0x7e: {  	_ =	shalt  }
0x7f: {  	_ =	shalt  }
0x80: {  	_ =	shalt  }
0x81: {  	_ =	shalt  }
0x82: {  	_ =	shalt  }
0x83: {  	_ =	shalt  }
0x84: {  	_ =	shalt  }
0x85: {  	_ =	shalt  }
0x86: {  	_ =	shalt  }
0x87: {  	_ =	shalt  }
.Lfunc_end0:
.L_simem_size_0:
called_computation_lowered:
.L_overlay_start_0:
0x88: {  	s2 =	sld [smem:$0x3FD9]  }
0x89: {  	s3 =	sld [smem:$0x3FFE];
	_ =	sdelay $0x1  }
0x8a: {  	s1 =	srdreg.scid  }
0x8b: {  	s0 =	sand.u32 $0x1, s1  }
0x8c: {  	s17 =	sshll.u32 s0, $0xA;
	s2 =	sadd.s32 s3, s2  }
0x8d: {  	s2 =	sadd.s32 s2, s17  }
0x8e: {  	[smem:$0x3FC6] =	sst s2  }
0x8f: {  	_ = 	snop  }
0x90: {  	s2 =	sld [smem:$0x3FC9]  }
0x91: {  	s18 =	sld [smem:$0x3FD0];
	(tm) =	ssettm $0x1  }
0x92: {  	s4 =	sld [smem:$0x3FFB];
	_ =	sdelay $0x3  }
0x93: {  	_ =	strace s4  }
0x94: {  	s4 =	sld [smem:$0x3FFC];
	_ =	sdelay $0x3  }
0x95: {  	_ =	strace s4  }
0x96: {  	s4 =	sld [smem:$0x3FFD];
	_ =	sdelay $0x3  }
0x97: {  	_ =	strace s4  }
0x98: {  	_ =	strace $0x8FFFFFFF  }
0x99: {  	s19 =	sld [smem:$0x3FDB];
	_ =	sdelay $0x1  }
0x9a: {  	s5 =	simm.s32 $_scs_section_size  }
0x9b: {  	s6 =	simm.s32 $_size__tile_overlayer_lowered;
	s7 =	simm.s32 $_tile_overlayer_lowered  }
0x9c: {  	s22 =	simm.s32 $0x1BFF;
	s21 =	sshll.u32 s7, $0x1;
	s4 =	sadd.s32 s5, s19  }
0x9d: {  	s8 =	simm.s32 $0x0;
	s20 =	sshll.u32 s6, $0x1;
	s6 =	sadd.s32 s21, s4  }
0x9e: {  	[timem:s8], [sflag:s22] =	dma.local [hbm:s6], s20  }
0x9f: {  	_ =	swait.ge [sflag:s22], s20  }
0xa0: {  	s5 =	ssub.s32 $0x0, s20;
	[sflag:s22] =	ssyncset.done $0x0  }
0xa1: {  	[sflag:s22] =	ssyncadd.s32 s5;
	_ =	sdelay $0x1  }
0xa2: {  	s23 =	simm.s32 $0x1B8B  }
0xa3: {  	_ =	swait.ge [sflag:s23], $0x1  }
0xa4: {  	[sflag:s23] =	ssyncset.done $0x0  }
0xa5: {  	s25 =	simm.s32 $0x1B8E;
	s24 =	sld [smem:$0x3FFE];
	[sflag:s23] =	ssyncadd.s32 $0xFFFFFFFF  }
0xa6: {  	s26 =	simm.s32 $execute0_lowered;
	[smem:$0x3FD2] =	sst s25  }
0xa7: {  	s6 =	sshll.u32 s26, $0x1;
	_ =	strace $0x80000046;
	[dreg:$0x1] =	wrdreg $0xFFFFFFFF  }
0xa8: {  	s28 =	simm.s32 $_size_execute0_lowered;
	s4 =	sadd.s32 s4, s6;
	[dreg:$0x0] =	wrdreg $0x0  }
0xa9: {  	s6 =	sshll.u32 s28, $0x1;
	[dreg:$0x2] =	wrdreg s4  }
0xaa: {  	[dreg:$0x3] =	wrdreg s6  }
0xab: {  	[dreg:$0x4] =	wrdreg $0xC0  }
0xac: {  	_ =	task [dreg:s8], $0x5FFFF  }
0xad: {  	[dreg:$0x1] =	wrdreg $0xFFFFFFFF  }
0xae: {  	[dreg:$0x0] =	wrdreg $0x60  }
0xaf: {  	[dreg:$0x2] =	wrdreg s2  }
0xb0: {  	[dreg:$0x3] =	wrdreg s24  }
0xb1: {  	[dreg:$0x4] =	wrdreg s18  }
0xb2: {  	[dreg:$0x5] =	wrdreg $0x9  }
0xb3: {  	_ =	task.clear_ibuf [dreg:s8], $0x6FFFF;
	_ =	strace $0x90000046  }
0xb4: {  	s29 =	simm.s32 $0x9;
	_ =	strace $0x80000048  }
0xb5: {  	_ =	swait.ge [sflag:s29], $0x1  }
0xb6: {  	[sflag:s29] =	ssyncadd.s32 $0xFFFFFFFF  }
0xb7: {  	_ =	strace $0x90000048  }
0xb8: {  	_ =	sfence  }
0xb9: {  	s30 =	sld [smem:$0x0];
	_ =	sdelay $0x2  }
0xba: {  	s31 =	sshll.u32 s1, $0xD;
	s1 =	sshrl.u32 s1, $0x2  }
0xbb: {  	s3 =	sand.u32 $0x4000, s31;
	s1 =	sadd.s32 s1, s30  }
0xbc: {  	s0 =	sor.u32 s3, s0;
	s1 =	sshll.u32 s1, $0x11  }
0xbd: {  	s0 =	sor.u32 s1, s0  }
0xbe: {  	s0 =	sadd.s32 $0x8F2B, s0  }
0xbf: {  	[sflag:s0] =	ssyncadd.remote.s32 $0x1  }
0xc0: {  	_ =	sfence.sel $0xFFFF  }
0xc1: {  	[dreg:$0x0] =	wrdreg $0xFFFFFFFF;
	(pc) =	sbr.abs _section_cstart, $3  }
0xc2: {  	[dreg:$0x1] =	wrdreg $0xFFFFFFFF  }
0xc3: {  	_ =	task.clear_ibuf [dreg:s8], $0x2FFFF;
	_ =	strace $0x9FFFFFFF  }
0xc4: {  	(tm) =	ssettm $0x7FFFFFFF  }
0xc5: {  	_ =	shalt  }
tec
execute0_lowered:
.L_overlay_start_1:
0x0: {  	(tag) =	ssettag $0x1  }
0x1: {  	s1 =	rddreg [dreg:$0x0]  }
0x2: {  	s6 =	rddreg [dreg:$0x1]  }
0x3: {  	s3 =	rddreg [dreg:$0x2]  }
0x4: {  	s0 =	rddreg [dreg:$0x3]  }
0x5: {  	s5 =	srdreg.scid;
	s2 =	stileid.u32  }
0x6: {  	s4 =	simm.s32 $0x0;
	s12 =	simm.s32 $0x1880;
	s13 =	simm.s32 $0x3100  }
0x7: {  	s14 =	simm.s32 $0x40;
	s15 =	simm.s32 $0x4980;
	s16 =	simm.s32 $0x6980  }
0x8: {  	s17 =	simm.s32 $0x8980;
	s18 =	simm.s32 $0x1;
	s19 =	simm.s32 $0x2  }
0x9: {  	s20 =	simm.s32 $0xA980;
	s5 =	sand.u32 $0x1, s5;
	s7 =	sshll.u32 s2, $0x1  }
0xa: {  	s21 =	simm.s32 $0x3;
	s22 =	simm.s32 $0x4;
	s9 =	sor.u32 s5, s7  }
0xb: {  	s23 =	simm.s32 $0x0;
	[smem:$0x7FF] =	sst s4;
	s7 =	smul.u32 $0x310, s9  }
.Ltmp0:
0xc: {  	_ =	strace $0x80000047;
	s8 =	ssub.s32 $0x2, s5;
	(pc) =	sbr.rel .LBB2_1-.Ltmp0, $4  }
0xd: {  	s5 =	simm.s32 $0x57;
	s10 =	sshrl.u32 s8, $0x1;
	p0 =	seq.s32 s9, $0x1F  }
0xe: {  	s9 =	smul.u32 $0xC4000, s9;
	s10 =	ssub.s32 s8, s10;
	s11 =	sadd.s32 s7, s6  }
0xf: {  	s5 =	simm.s32 @!p0 $0x62;
	s10 =	smax.u32 s10, $0x1;
	s6 =	sadd.s32 $0xCA00, s11  }
0x10: {  	s7 =	sadd.s32 $0x6800, s11;
	s8 =	sadd.s32 $0x600, s11;
	s11 =	simm.s32 $0x5  }
.LBB2_11:
0x11: {  	s23 =	sadd.s32 $0x1, s23  }
0x12: {  	_ =	swait.ge [sflag:s21], $0x2000;
	p0 =	sne.s32 s23, s10  }
.Ltmp1:
0x13: {  	[sflag:s21] =	ssyncset.done $0x0;
	(pc) =	sbr.rel @!p0 .LBB2_12-.Ltmp1, $4  }
0x14: {  	[sflag:s21] =	ssyncadd.s32 $0xFFFFE000  }
0x15: {  	_ =	swait.ge [sflag:s22], $0x2000  }
0x16: {  	[sflag:s22] =	ssyncset.done $0x0  }
0x17: {  	[sflag:s22] =	ssyncadd.s32 $0xFFFFE000  }
.LBB2_1:
0x18: {  	[tilespmem:s4], [sflag:$0x5] =	stream.linear.gather [hbm4b:s6+s4], $0x1880, $0x38;
	[tilespmem:$0x10980] =	vst v63  }
0x19: {  	_ =	swait.ge [sflag:s11], $0x1880  }
0x1a: {  	[sflag:s11] =	ssyncset.done $0x0  }
0x1b: {  	[sflag:s11] =	ssyncadd.s32 $0xFFFFE780  }
0x1c: {  	[tilespmem:s12], [sflag:$0x5] =	stream.linear.gather [hbm4b:s7+s4], $0x1880, $0x38;
	[tilespmem:$0x10980] =	vst v63  }
0x1d: {  	_ =	swait.ge [sflag:s11], $0x1880  }
0x1e: {  	[sflag:s11] =	ssyncset.done $0x0  }
0x1f: {  	[sflag:s11] =	ssyncadd.s32 $0xFFFFE780  }
0x20: {  	[tilespmem:s13], [sflag:$0x5] =	stream.linear.gather [hbm4b:s8+s4], $0x1880, $0x38;
	[tilespmem:$0x10980] =	vst v63  }
0x21: {  	_ =	swait.ge [sflag:s11], $0x1880  }
0x22: {  	[sflag:s11] =	ssyncset.done $0x0  }
0x23: {  	[sflag:s11] =	ssyncadd.s32 $0xFFFFE780  }
0x24: {  	[tilespmem:s15], [sflag:$0x1] =	stream.indirect.gather [hbm4b:s1+s14], $0x80, s4, s14, $0xb8;
	[tilespmem:$0x10980] =	vst v63  }
.Ltmp2:
0x25: {  	_ = 	snop;
	(pc) =	sbr.rel .LBB2_2-.Ltmp2, $4  }
0x26: {  	_ = 	snop  }
0x27: {  	[tilespmem:s16], [sflag:$0x1] =	stream.indirect.gather [hbm4b:s1+s14], $0x80, s12, s14, $0xb8;
	[tilespmem:$0x10980] =	vst v63  }
0x28: {  	s24 =	simm.s32 $0x0  }
0x29: {  	[tilespmem:s17], [sflag:$0x1] =	stream.indirect.gather [hbm4b:s1+s14], $0x80, s13, s14, $0xb8;
	[tilespmem:$0x10980] =	vst v63  }
.LBB2_10:
0x2a: {  	s24 =	sadd.s32 $0x1, s24  }
0x2b: {  	p0 =	sne.s32 s24, $0x31  }
.Ltmp3:
0x2c: {  	_ = 	snop;
	(pc) =	sbr.rel @!p0 .LBB2_11-.Ltmp3, $1  }
0x2d: {  	_ =	sdelay $0x3  }
.LBB2_2:
0x2e: {  	s25 =	sshllo.u32 s24, $0x1;
	p0 =	seq.s32 s24, $0x0  }
0x2f: {  	p1 =	sge.u32 @!p0 s25, s5  }
0x30: {  	p0 =	por p1, p0  }
0x31: {  	s26 =	simm.s32 @!p0 $0x4  }
0x32: {  	_ =	swait.ge @!p0 [sflag:s26], $0x2000  }
0x33: {  	[sflag:s26] =	ssyncset.done @!p0 $0x0  }
0x34: {  	[sflag:s26] =	ssyncadd.s32 @!p0 $0xFFFFE000;
	p0 =	sge.u32 s25, s5  }
0x35: {  	s28 =	sshll.u32 @!p0 s25, $0x6;
	s29 =	simm.s32 @!p0 $0x40;
	s26 =	simm.s32 @!p0 $0xA980  }
0x36: {  	[tilespmem:s26], [sflag:$0x2] =	stream.indirect.gather @!p0 [hbm4b:s1+s29], $0x80, s28, s29, $0xb8;
	[tilespmem:$0x10980] =	vst v63  }
0x37: {  	s30 =	simm.s32 @!p0 $0xC980;
	s26 =	sadd.s32 @!p0 $0x1880, s28  }
0x38: {  	[tilespmem:s30], [sflag:$0x2] =	stream.indirect.gather @!p0 [hbm4b:s1+s29], $0x80, s26, s29, $0xb8;
	[tilespmem:$0x10980] =	vst v63  }
0x39: {  	s26 =	sshll.u32 s24, $0x1  }
0x3a: {  	p1 =	sge.u32 s26, s5  }
.Ltmp4:
0x3b: {  	_ = 	snop;
	(pc) =	sbr.rel @p1 .LBB2_6-.Ltmp4, $3  }
0x3c: {  	_ =	sdelay $0x1  }
0x3d: {  	s28 =	sadd.s32 @!p0 $0x3100, s28;
	s30 =	simm.s32 @!p0 $0xE980  }
0x3e: {  	[tilespmem:s30], [sflag:$0x2] =	stream.indirect.gather @!p0 [hbm4b:s1+s29], $0x80, s28, s29, $0xb8;
	[tilespmem:$0x10980] =	vst v63  }
0x3f: {  	_ =	swait.ge [sflag:s18], $0x2000  }
0x40: {  	[sflag:s18] =	ssyncset.done $0x0  }
0x41: {  	[sflag:s18] =	ssyncadd.s32 $0xFFFFE000  }
0x42: {  	_ =	swait.ge [sflag:s18], $0x2000  }
0x43: {  	[sflag:s18] =	ssyncset.done $0x0  }
0x44: {  	[sflag:s18] =	ssyncadd.s32 $0xFFFFE000  }
0x45: {  	_ =	swait.ge [sflag:s18], $0x2000  }
0x46: {  	[sflag:s18] =	ssyncset.done $0x0  }
0x47: {  	s28 =	simm.s32 $0x0;
	[sflag:s18] =	ssyncadd.s32 $0xFFFFE000  }
0x48: {  	v0 =	vld [tilespmem:s28+$0x6A70]  }
0x49: {  	v1 =	vld [tilespmem:s28+$0x8A70]  }
0x4a: {  	v2 =	vld [tilespmem:s28+$0x6980]  }
0x4b: {  	v3 =	vld [tilespmem:s28+$0x8980]  }
0x4c: {  	v4 =	vld [tilespmem:s28+$0x6990]  }
0x4d: {  	v5 =	vld [tilespmem:s28+$0x8990]  }
0x4e: {  	v6 =	vld [tilespmem:s28+$0x69A0]  }
0x4f: {  	v7 =	vld [tilespmem:s28+$0x89B0]  }
0x50: {  	v8 =	vld [tilespmem:s28+$0x69C0]  }
0x51: {  	v9 =	vld [tilespmem:s28+$0x89C0]  }
0x52: {  	v10 =	vld [tilespmem:s28+$0x69D0]  }
0x53: {  	v11 =	vld [tilespmem:s28+$0x89D0]  }
0x54: {  	v12 =	vld [tilespmem:s28+$0x69E0]  }
0x55: {  	v13 =	vld [tilespmem:s28+$0x89E0]  }
0x56: {  	v14 =	vld [tilespmem:s28+$0x69F0]  }
0x57: {  	v15 =	vld [tilespmem:s28+$0x89F0]  }
0x58: {  	v16 =	vld [tilespmem:s28+$0x6A00]  }
0x59: {  	v17 =	vld [tilespmem:s28+$0x8A00]  }
0x5a: {  	v18 =	vld [tilespmem:s28+$0x6A10]  }
0x5b: {  	v19 =	vld [tilespmem:s28+$0x8A10]  }
0x5c: {  	v20 =	vld [tilespmem:s28+$0x6A20]  }
0x5d: {  	v21 =	vld [tilespmem:s28+$0x8A20]  }
0x5e: {  	v22 =	vld [tilespmem:s28+$0x6A30]  }
0x5f: {  	v23 =	vld [tilespmem:s28+$0x8A30]  }
0x60: {  	v24 =	vld [tilespmem:s28+$0x6A40]  }
0x61: {  	v25 =	vld [tilespmem:s28+$0x8A40]  }
0x62: {  	v26 =	vld [tilespmem:s28+$0x6A50]  }
0x63: {  	v27 =	vld [tilespmem:s28+$0x8A50]  }
0x64: {  	v63 =	vld [tilespmem:s28+$0x8A60];
	v0 =	vadd.f32 v1, v0  }
0x65: {  	v1 =	vld [tilespmem:s28+$0x89A0]  }
0x66: {  	v2 =	vadd.f32 v3, v2;
	[tilespmem:s28+$0x4A70] =	vst.add.f32.msk $0xffff, v0  }
0x67: {  	v0 =	vld [tilespmem:s28+$0x69B0]  }
0x68: {  	[tilespmem:s28+$0x4980] =	vst.add.f32.msk $0xffff, v2;
	v2 =	vadd.f32 v9, v8  }
0x69: {  	v3 =	vld [tilespmem:s28+$0x6A60];
	v4 =	vadd.f32 v5, v4  }
0x6a: {  	[tilespmem:s28+$0x49C0] =	vst.add.f32.msk $0xffff, v2;
	v2 =	vadd.f32 v15, v14  }
0x6b: {  	[tilespmem:s28+$0x4990] =	vst.add.f32.msk $0xffff, v4;
	v1 =	vadd.f32 v1, v6  }
0x6c: {  	[tilespmem:s28+$0x49F0] =	vst.add.f32.msk $0xffff, v2;
	v2 =	vadd.f32 v21, v20  }
0x6d: {  	v0 =	vadd.f32 v7, v0;
	[tilespmem:s28+$0x49A0] =	vst.add.f32.msk $0xffff, v1  }
0x6e: {  	v1 =	vadd.f32 v11, v10;
	[tilespmem:s28+$0x4A20] =	vst.add.f32.msk $0xffff, v2  }
0x6f: {  	[tilespmem:s28+$0x49B0] =	vst.add.f32.msk $0xffff, v0;
	v0 =	vadd.f32 v13, v12  }
0x70: {  	v2 =	vadd.f32 v27, v26;
	[tilespmem:s28+$0x49D0] =	vst.add.f32.msk $0xffff, v1  }
0x71: {  	[tilespmem:s28+$0x49E0] =	vst.add.f32.msk $0xffff, v0;
	v0 =	vadd.f32 v19, v18  }
0x72: {  	v1 =	vadd.f32 v17, v16;
	[tilespmem:s28+$0x4A50] =	vst.add.f32.msk $0xffff, v2  }
0x73: {  	[tilespmem:s28+$0x4A10] =	vst.add.f32.msk $0xffff, v0;
	v0 =	vadd.f32 v25, v24  }
0x74: {  	[tilespmem:s28+$0x4A00] =	vst.add.f32.msk $0xffff, v1;
	v1 =	vadd.f32 v23, v22  }
0x75: {  	[tilespmem:s28+$0x4A40] =	vst.add.f32.msk $0xffff, v0;
	v0 =	vadd.f32 v63, v3  }
0x76: {  	s29 =	simm.s32 $0x0;
	s30 =	simm.s32 $0x400;
	[tilespmem:s28+$0x4A30] =	vst.add.f32.msk $0xffff, v1  }
.LBB2_4:
0x77: {  	[tilespmem:s28+$0x4A60] =	vst.add.f32.msk $0xffff, v0;
	s28 =	sshra.s32 s30, $0x2  }
0x78: {  	s29 =	sadd.s32 $0x2, s29;
	v0 =	vld [tilespmem:s28+$0x6A70]  }
0x79: {  	p1 =	slt.u32 s29, $0x3E;
	v1 =	vld [tilespmem:s28+$0x8A70]  }
0x7a: {  	v2 =	vld [tilespmem:s28+$0x6980]  }
0x7b: {  	v3 =	vld [tilespmem:s28+$0x8980]  }
0x7c: {  	v4 =	vld [tilespmem:s28+$0x6990]  }
0x7d: {  	v5 =	vld [tilespmem:s28+$0x8990]  }
0x7e: {  	v6 =	vld [tilespmem:s28+$0x69A0];
	v0 =	vadd.f32 v1, v0  }
0x7f: {  	v1 =	vld [tilespmem:s28+$0x89A0]  }
0x80: {  	v2 =	vadd.f32 v3, v2;
	[tilespmem:s28+$0x4A70] =	vst.add.f32.msk $0xffff, v0  }
0x81: {  	v0 =	vld [tilespmem:s28+$0x69B0]  }
0x82: {  	v3 =	vadd.f32 v5, v4;
	v4 =	vld [tilespmem:s28+$0x89B0]  }
0x83: {  	v5 =	vld [tilespmem:s28+$0x69C0]  }
0x84: {  	v1 =	vadd.f32 v1, v6;
	v6 =	vld [tilespmem:s28+$0x89C0]  }
0x85: {  	v7 =	vld [tilespmem:s28+$0x69D0]  }
0x86: {  	v8 =	vld [tilespmem:s28+$0x89D0]  }
0x87: {  	v0 =	vadd.f32 v4, v0;
	v4 =	vld [tilespmem:s28+$0x69E0]  }
0x88: {  	v9 =	vld [tilespmem:s28+$0x89E0]  }
0x89: {  	v5 =	vadd.f32 v6, v5;
	v6 =	vld [tilespmem:s28+$0x69F0]  }
0x8a: {  	v10 =	vld [tilespmem:s28+$0x89F0]  }
0x8b: {  	v7 =	vadd.f32 v8, v7;
	v8 =	vld [tilespmem:s28+$0x6A00]  }
0x8c: {  	v11 =	vld [tilespmem:s28+$0x8A00]  }
0x8d: {  	v4 =	vadd.f32 v9, v4;
	v9 =	vld [tilespmem:s28+$0x6A10]  }
0x8e: {  	v12 =	vld [tilespmem:s28+$0x8A10]  }
0x8f: {  	v6 =	vadd.f32 v10, v6;
	v10 =	vld [tilespmem:s28+$0x6A20]  }
0x90: {  	v13 =	vld [tilespmem:s28+$0x8A20]  }
0x91: {  	v8 =	vadd.f32 v11, v8;
	v11 =	vld [tilespmem:s28+$0x6A30]  }
0x92: {  	v14 =	vld [tilespmem:s28+$0x8A30]  }
0x93: {  	v9 =	vadd.f32 v12, v9;
	v12 =	vld [tilespmem:s28+$0x6A40]  }
0x94: {  	v15 =	vld [tilespmem:s28+$0x8A40]  }
0x95: {  	v10 =	vadd.f32 v13, v10;
	v13 =	vld [tilespmem:s28+$0x6A50]  }
0x96: {  	v16 =	vld [tilespmem:s28+$0x8A50]  }
0x97: {  	v11 =	vadd.f32 v14, v11;
	v14 =	vld [tilespmem:s28+$0x6A60]  }
0x98: {  	v17 =	vld [tilespmem:s28+$0x8A60]  }
0x99: {  	[tilespmem:s28+$0x4980] =	vst.add.f32.msk $0xffff, v2;
	v2 =	vadd.f32 v15, v12  }
0x9a: {  	[tilespmem:s28+$0x4990] =	vst.add.f32.msk $0xffff, v3  }
0x9b: {  	[tilespmem:s28+$0x49A0] =	vst.add.f32.msk $0xffff, v1;
	v1 =	vadd.f32 v16, v13  }
0x9c: {  	[tilespmem:s28+$0x49B0] =	vst.add.f32.msk $0xffff, v0  }
0x9d: {  	[tilespmem:s28+$0x49C0] =	vst.add.f32.msk $0xffff, v5;
	v0 =	vadd.f32 v17, v14  }
0x9e: {  	[tilespmem:s28+$0x49D0] =	vst.add.f32.msk $0xffff, v7  }
0x9f: {  	[tilespmem:s28+$0x49E0] =	vst.add.f32.msk $0xffff, v4  }
0xa0: {  	[tilespmem:s28+$0x49F0] =	vst.add.f32.msk $0xffff, v6  }
0xa1: {  	[tilespmem:s28+$0x4A00] =	vst.add.f32.msk $0xffff, v8  }
.Ltmp5:
0xa2: {  	[tilespmem:s28+$0x4A10] =	vst.add.f32.msk $0xffff, v9;
	(pc) =	sbr.rel @p1 .LBB2_4-.Ltmp5, $4  }
0xa3: {  	[tilespmem:s28+$0x4A20] =	vst.add.f32.msk $0xffff, v10  }
0xa4: {  	[tilespmem:s28+$0x4A30] =	vst.add.f32.msk $0xffff, v11  }
0xa5: {  	[tilespmem:s28+$0x4A40] =	vst.add.f32.msk $0xffff, v2  }
0xa6: {  	s30 =	sadd.s32 $0x400, s30;
	[tilespmem:s28+$0x4A50] =	vst.add.f32.msk $0xffff, v1  }
0xa7: {  	s29 =	sshll.u32 s24, $0xE  }
0xa8: {  	s29 =	sadd.s32 s9, s29  }
0xa9: {  	s29 =	sshrl.u32 s29, $0x3  }
0xaa: {  	[tilespmem:s28+$0x4A60] =	vst.add.f32.msk $0xffff, v0;
	s31 =	sadd.s32 s3, s29  }
0xab: {  	[hbm4b:s31+s4] =	stream.linear.scatter [tilespmem:s15], [sflag:$0x3], $0x2000, $0x38;
	[tilespmem:$0x10980] =	vst v63  }
.LBB2_6:
0xac: {  	s26 =	sadd.s32 $0x2, s26  }
0xad: {  	p1 =	sge.u32 s26, s5  }
0xae: {  	s28 =	simm.s32 @!p1 $0x3  }
0xaf: {  	_ =	swait.ge @!p1 [sflag:s28], $0x2000  }
0xb0: {  	s26 =	sshll.u32 @!p1 s26, $0x6;
	[sflag:s28] =	ssyncset.done @!p1 $0x0  }
0xb1: {  	s29 =	simm.s32 @!p1 $0x4980;
	[sflag:s28] =	ssyncadd.s32 @!p1 $0xFFFFE000;
	s28 =	simm.s32 @!p1 $0x40  }
0xb2: {  	[tilespmem:s29], [sflag:$0x1] =	stream.indirect.gather @!p1 [hbm4b:s1+s28], $0x80, s26, s28, $0xb8;
	[tilespmem:$0x10980] =	vst v63  }
.Ltmp6:
0xb3: {  	_ = 	snop;
	(pc) =	sbr.rel @p0 .LBB2_10-.Ltmp6, $4  }
0xb4: {  	s30 =	simm.s32 @!p1 $0x6980;
	s29 =	sadd.s32 @!p1 $0x1880, s26  }
0xb5: {  	[tilespmem:s30], [sflag:$0x1] =	stream.indirect.gather @!p1 [hbm4b:s1+s28], $0x80, s29, s28, $0xb8;
	[tilespmem:$0x10980] =	vst v63  }
0xb6: {  	s26 =	sadd.s32 @!p1 $0x3100, s26;
	s29 =	simm.s32 @!p1 $0x8980  }
0xb7: {  	[tilespmem:s29], [sflag:$0x1] =	stream.indirect.gather @!p1 [hbm4b:s1+s28], $0x80, s26, s28, $0xb8;
	[tilespmem:$0x10980] =	vst v63  }
0xb8: {  	_ =	swait.ge [sflag:s19], $0x2000  }
0xb9: {  	[sflag:s19] =	ssyncset.done $0x0  }
0xba: {  	[sflag:s19] =	ssyncadd.s32 $0xFFFFE000  }
0xbb: {  	_ =	swait.ge [sflag:s19], $0x2000  }
0xbc: {  	[sflag:s19] =	ssyncset.done $0x0  }
0xbd: {  	[sflag:s19] =	ssyncadd.s32 $0xFFFFE000  }
0xbe: {  	_ =	swait.ge [sflag:s19], $0x2000  }
0xbf: {  	[sflag:s19] =	ssyncset.done $0x0  }
0xc0: {  	s26 =	simm.s32 $0x0;
	[sflag:s19] =	ssyncadd.s32 $0xFFFFE000  }
0xc1: {  	v0 =	vld [tilespmem:s26+$0xCA70]  }
0xc2: {  	v1 =	vld [tilespmem:s26+$0xEA70]  }
0xc3: {  	v2 =	vld [tilespmem:s26+$0xC980]  }
0xc4: {  	v3 =	vld [tilespmem:s26+$0xE980]  }
0xc5: {  	v4 =	vld [tilespmem:s26+$0xC990]  }
0xc6: {  	v5 =	vld [tilespmem:s26+$0xE990]  }
0xc7: {  	v6 =	vld [tilespmem:s26+$0xC9A0]  }
0xc8: {  	v7 =	vld [tilespmem:s26+$0xE9B0]  }
0xc9: {  	v8 =	vld [tilespmem:s26+$0xC9C0]  }
0xca: {  	v9 =	vld [tilespmem:s26+$0xE9C0]  }
0xcb: {  	v10 =	vld [tilespmem:s26+$0xC9D0]  }
0xcc: {  	v11 =	vld [tilespmem:s26+$0xE9D0]  }
0xcd: {  	v12 =	vld [tilespmem:s26+$0xC9E0]  }
0xce: {  	v13 =	vld [tilespmem:s26+$0xE9E0]  }
0xcf: {  	v14 =	vld [tilespmem:s26+$0xC9F0]  }
0xd0: {  	v15 =	vld [tilespmem:s26+$0xE9F0]  }
0xd1: {  	v16 =	vld [tilespmem:s26+$0xCA00]  }
0xd2: {  	v17 =	vld [tilespmem:s26+$0xEA00]  }
0xd3: {  	v18 =	vld [tilespmem:s26+$0xCA10]  }
0xd4: {  	v19 =	vld [tilespmem:s26+$0xEA10]  }
0xd5: {  	v20 =	vld [tilespmem:s26+$0xCA20]  }
0xd6: {  	v21 =	vld [tilespmem:s26+$0xEA20]  }
0xd7: {  	v22 =	vld [tilespmem:s26+$0xCA30]  }
0xd8: {  	v23 =	vld [tilespmem:s26+$0xEA30]  }
0xd9: {  	v24 =	vld [tilespmem:s26+$0xCA40]  }
0xda: {  	v25 =	vld [tilespmem:s26+$0xEA40]  }
0xdb: {  	v26 =	vld [tilespmem:s26+$0xCA50]  }
0xdc: {  	v27 =	vld [tilespmem:s26+$0xEA50]  }
0xdd: {  	v63 =	vld [tilespmem:s26+$0xEA60];
	v0 =	vadd.f32 v1, v0  }
0xde: {  	v1 =	vld [tilespmem:s26+$0xE9A0]  }
0xdf: {  	v2 =	vadd.f32 v3, v2;
	[tilespmem:s26+$0xAA70] =	vst.add.f32.msk $0xffff, v0  }
0xe0: {  	v0 =	vld [tilespmem:s26+$0xC9B0]  }
0xe1: {  	[tilespmem:s26+$0xA980] =	vst.add.f32.msk $0xffff, v2;
	v2 =	vadd.f32 v9, v8  }
0xe2: {  	v3 =	vld [tilespmem:s26+$0xCA60];
	v4 =	vadd.f32 v5, v4  }
0xe3: {  	[tilespmem:s26+$0xA9C0] =	vst.add.f32.msk $0xffff, v2;
	v2 =	vadd.f32 v15, v14  }
0xe4: {  	[tilespmem:s26+$0xA990] =	vst.add.f32.msk $0xffff, v4;
	v1 =	vadd.f32 v1, v6  }
0xe5: {  	[tilespmem:s26+$0xA9F0] =	vst.add.f32.msk $0xffff, v2;
	v2 =	vadd.f32 v21, v20  }
0xe6: {  	v0 =	vadd.f32 v7, v0;
	[tilespmem:s26+$0xA9A0] =	vst.add.f32.msk $0xffff, v1  }
0xe7: {  	v1 =	vadd.f32 v11, v10;
	[tilespmem:s26+$0xAA20] =	vst.add.f32.msk $0xffff, v2  }
0xe8: {  	[tilespmem:s26+$0xA9B0] =	vst.add.f32.msk $0xffff, v0;
	v0 =	vadd.f32 v13, v12  }
0xe9: {  	v2 =	vadd.f32 v27, v26;
	[tilespmem:s26+$0xA9D0] =	vst.add.f32.msk $0xffff, v1  }
0xea: {  	[tilespmem:s26+$0xA9E0] =	vst.add.f32.msk $0xffff, v0;
	v0 =	vadd.f32 v19, v18  }
0xeb: {  	v1 =	vadd.f32 v17, v16;
	[tilespmem:s26+$0xAA50] =	vst.add.f32.msk $0xffff, v2  }
0xec: {  	[tilespmem:s26+$0xAA10] =	vst.add.f32.msk $0xffff, v0;
	v0 =	vadd.f32 v25, v24  }
0xed: {  	[tilespmem:s26+$0xAA00] =	vst.add.f32.msk $0xffff, v1;
	v1 =	vadd.f32 v23, v22  }
0xee: {  	[tilespmem:s26+$0xAA40] =	vst.add.f32.msk $0xffff, v0;
	v0 =	vadd.f32 v63, v3  }
0xef: {  	s28 =	simm.s32 $0x0;
	s29 =	simm.s32 $0x400;
	[tilespmem:s26+$0xAA30] =	vst.add.f32.msk $0xffff, v1  }
.LBB2_8:
0xf0: {  	[tilespmem:s26+$0xAA60] =	vst.add.f32.msk $0xffff, v0;
	s26 =	sshra.s32 s29, $0x2  }
0xf1: {  	s28 =	sadd.s32 $0x2, s28;
	v0 =	vld [tilespmem:s26+$0xCA70]  }
0xf2: {  	p0 =	slt.u32 s28, $0x3E;
	v1 =	vld [tilespmem:s26+$0xEA70]  }
0xf3: {  	v2 =	vld [tilespmem:s26+$0xC980]  }
0xf4: {  	v3 =	vld [tilespmem:s26+$0xE980]  }
0xf5: {  	v4 =	vld [tilespmem:s26+$0xC990]  }
0xf6: {  	v5 =	vld [tilespmem:s26+$0xE990]  }
0xf7: {  	v6 =	vld [tilespmem:s26+$0xC9A0];
	v0 =	vadd.f32 v1, v0  }
0xf8: {  	v1 =	vld [tilespmem:s26+$0xE9A0]  }
0xf9: {  	v2 =	vadd.f32 v3, v2;
	[tilespmem:s26+$0xAA70] =	vst.add.f32.msk $0xffff, v0  }
0xfa: {  	v0 =	vld [tilespmem:s26+$0xC9B0]  }
0xfb: {  	v3 =	vadd.f32 v5, v4;
	v4 =	vld [tilespmem:s26+$0xE9B0]  }
0xfc: {  	v5 =	vld [tilespmem:s26+$0xC9C0]  }
0xfd: {  	v1 =	vadd.f32 v1, v6;
	v6 =	vld [tilespmem:s26+$0xE9C0]  }
0xfe: {  	v7 =	vld [tilespmem:s26+$0xC9D0]  }
0xff: {  	v8 =	vld [tilespmem:s26+$0xE9D0]  }
0x100: {  	v0 =	vadd.f32 v4, v0;
	v4 =	vld [tilespmem:s26+$0xC9E0]  }
0x101: {  	v9 =	vld [tilespmem:s26+$0xE9E0]  }
0x102: {  	v5 =	vadd.f32 v6, v5;
	v6 =	vld [tilespmem:s26+$0xC9F0]  }
0x103: {  	v10 =	vld [tilespmem:s26+$0xE9F0]  }
0x104: {  	v7 =	vadd.f32 v8, v7;
	v8 =	vld [tilespmem:s26+$0xCA00]  }
0x105: {  	v11 =	vld [tilespmem:s26+$0xEA00]  }
0x106: {  	v4 =	vadd.f32 v9, v4;
	v9 =	vld [tilespmem:s26+$0xCA10]  }
0x107: {  	v12 =	vld [tilespmem:s26+$0xEA10]  }
0x108: {  	v6 =	vadd.f32 v10, v6;
	v10 =	vld [tilespmem:s26+$0xCA20]  }
0x109: {  	v13 =	vld [tilespmem:s26+$0xEA20]  }
0x10a: {  	v8 =	vadd.f32 v11, v8;
	v11 =	vld [tilespmem:s26+$0xCA30]  }
0x10b: {  	v14 =	vld [tilespmem:s26+$0xEA30]  }
0x10c: {  	v9 =	vadd.f32 v12, v9;
	v12 =	vld [tilespmem:s26+$0xCA40]  }
0x10d: {  	v15 =	vld [tilespmem:s26+$0xEA40]  }
0x10e: {  	v10 =	vadd.f32 v13, v10;
	v13 =	vld [tilespmem:s26+$0xCA50]  }
0x10f: {  	v16 =	vld [tilespmem:s26+$0xEA50]  }
0x110: {  	v11 =	vadd.f32 v14, v11;
	v14 =	vld [tilespmem:s26+$0xCA60]  }
0x111: {  	v17 =	vld [tilespmem:s26+$0xEA60]  }
0x112: {  	[tilespmem:s26+$0xA980] =	vst.add.f32.msk $0xffff, v2;
	v2 =	vadd.f32 v15, v12  }
0x113: {  	[tilespmem:s26+$0xA990] =	vst.add.f32.msk $0xffff, v3  }
0x114: {  	[tilespmem:s26+$0xA9A0] =	vst.add.f32.msk $0xffff, v1;
	v1 =	vadd.f32 v16, v13  }
0x115: {  	[tilespmem:s26+$0xA9B0] =	vst.add.f32.msk $0xffff, v0  }
0x116: {  	[tilespmem:s26+$0xA9C0] =	vst.add.f32.msk $0xffff, v5;
	v0 =	vadd.f32 v17, v14  }
0x117: {  	[tilespmem:s26+$0xA9D0] =	vst.add.f32.msk $0xffff, v7  }
0x118: {  	[tilespmem:s26+$0xA9E0] =	vst.add.f32.msk $0xffff, v4  }
0x119: {  	[tilespmem:s26+$0xA9F0] =	vst.add.f32.msk $0xffff, v6  }
0x11a: {  	[tilespmem:s26+$0xAA00] =	vst.add.f32.msk $0xffff, v8  }
.Ltmp7:
0x11b: {  	[tilespmem:s26+$0xAA10] =	vst.add.f32.msk $0xffff, v9;
	(pc) =	sbr.rel @p0 .LBB2_8-.Ltmp7, $4  }
0x11c: {  	[tilespmem:s26+$0xAA20] =	vst.add.f32.msk $0xffff, v10  }
0x11d: {  	[tilespmem:s26+$0xAA30] =	vst.add.f32.msk $0xffff, v11  }
0x11e: {  	[tilespmem:s26+$0xAA40] =	vst.add.f32.msk $0xffff, v2  }
0x11f: {  	s29 =	sadd.s32 $0x400, s29;
	[tilespmem:s26+$0xAA50] =	vst.add.f32.msk $0xffff, v1  }
.Ltmp8:
0x120: {  	s25 =	sshll.u32 s25, $0xD;
	(pc) =	sbr.rel .LBB2_10-.Ltmp8, $4  }
0x121: {  	s25 =	sadd.s32 s9, s25  }
0x122: {  	s25 =	sshrl.u32 s25, $0x3  }
0x123: {  	[tilespmem:s26+$0xAA60] =	vst.add.f32.msk $0xffff, v0;
	s25 =	sadd.s32 s3, s25  }
0x124: {  	[hbm4b:s25+s4] =	stream.linear.scatter [tilespmem:s20], [sflag:$0x4], $0x2000, $0x38;
	[tilespmem:$0x10980] =	vst v63  }
.LBB2_12:
0x125: {  	_ =	sfence.sel $0x180000  }
0x126: {  	[bflag:$0x0] =	sbarrier.arrive $0xFFFF  }
0x127: {  	p0 =	sne.s32 s2, $0x0;
	_ =	strace $0x90000047  }
0x128: {  	s0 =	sadd.s32 @!p0 $0x100000, s0;
	[bflag:$0x2] =	sbarrier.arrive $0xFFFF  }
0x129: {  	[sflag:s0] =	ssyncadd.tile.s32 @!p0 $0x1;
	_ =	shalt  }
.Lfunc_end2:
_tile_overlayer_lowered:
.L_overlay_start_2:
0x12a: {  	(tag) =	ssettag $0x2  }
0x12b: {  	s0 =	rddreg [dreg:$0x0];
	s2 =	stileid.u32  }
0x12c: {  	s1 =	rddreg [dreg:$0x1];
	p0 =	sne.s32 s2, $0x0  }
0x12d: {  	s3 =	rddreg [dreg:$0x2];
	[bflag:$0x3] =	sbarrier.arrive $0xFFFF;
	s2 =	simm.s32 @!p0 $0x1C05  }
0x12e: {  	[timem:s3], [sflag:s2] =	dma.local @!p0 [hbm:s0], s1  }
0x12f: {  	s0 =	simm.s32 @!p0 $0x5  }
0x130: {  	_ =	swait.ge @!p0 [sflag:s0], s1  }
0x131: {  	s1 =	ssub.s32 @!p0 $0x0, s1;
	[sflag:s0] =	ssyncset.done @!p0 $0x0  }
0x132: {  	[sflag:s0] =	ssyncadd.s32 @!p0 s1  }
0x133: {  	[bflag:$0x3] =	sbarrier.arrive $0xFFFF  }
0x134: {  	_ =	shalt  }

</sc_bundles>
